<compile_context>
chip_gen: v7x
topology: tpu7x:2x2x1
jax: 0.10.2.dev20260603
libtpu: 0.0.44.dev20260713+nightly
codegen_flags: <defaults>
</compile_context>

<pallas_src>
import functools

import jax
import jax.numpy as jnp
from jax import lax
from jax.experimental import pallas as pl
from jax.experimental.pallas import tpu as pltpu
from jax.experimental.pallas import tpu_sc as plsc

_VOCAB = 1000000
_D = 16
_NUM_COLS = 5
_B = 16384
_NC, _NS = 2, 16
_NW = _NC * _NS
_BPW = _B // _NW
_CPW = _BPW * _NUM_COLS
_TR = _BPW // 128
_CR = _CPW // 128
_NBLK = _CPW // _D


def _sc_call(tgt_idx2, ctx_idx2, tgt_tab, ctx_tab):
    mesh = plsc.VectorSubcoreMesh(core_axis_name="c", subcore_axis_name="s")

    @functools.partial(
        pl.kernel,
        mesh=mesh,
        compiler_params=pltpu.CompilerParams(
            needs_layout_passes=False, use_tc_tiling_on_sc=False),
        out_type=jax.ShapeDtypeStruct((_B * _NUM_COLS,), jnp.float32),
        scratch_types=[
            pltpu.VMEM((_TR, 128), jnp.int32),
            pltpu.VMEM((_CR, 128), jnp.int32),
            pltpu.VMEM((_TR, 128, _D), jnp.float32),
            pltpu.VMEM((_CR, 128, _D), jnp.float32),
            pltpu.VMEM((_CPW,), jnp.float32),
            pltpu.SemaphoreType.DMA,
        ],
    )
    def body(tgt_idx_hbm, ctx_idx_hbm, tgt_tab_hbm, ctx_tab_hbm, out_hbm,
             tidx_v, cidx_v, trows_v, crows_v, out_v, sem):
        wid = lax.axis_index("s") * _NC + lax.axis_index("c")
        cbase = wid * _CPW

        pltpu.sync_copy(tgt_idx_hbm.at[pl.ds(wid * _TR, _TR)], tidx_v)
        pltpu.sync_copy(ctx_idx_hbm.at[pl.ds(wid * _CR, _CR)], cidx_v)

        copies = []
        for r in range(_TR):
            copies.append(pltpu.async_copy(
                tgt_tab_hbm.at[tidx_v.at[r]], trows_v.at[r], sem))
        for r in range(_CR):
            copies.append(pltpu.async_copy(
                ctx_tab_hbm.at[cidx_v.at[r]], crows_v.at[r], sem))
        for c in copies:
            c.wait()

        lane = lax.iota(jnp.int32, 16)
        m127 = jnp.zeros((16,), jnp.int32) + 127

        def step(k, carry):
            i = k * _D + lane
            t = lax.shift_right_logical(i * 13108, 16)
            i0 = lax.shift_right_logical(i, 7)
            i1 = lax.bitwise_and(i, m127)
            t0 = lax.shift_right_logical(t, 7)
            t1 = lax.bitwise_and(t, m127)
            acc = jnp.zeros((16,), jnp.float32)
            for f in range(_D):
                fvec = jnp.zeros((16,), jnp.int32) + f
                cv = plsc.load_gather(crows_v, [i0, i1, fvec])
                tv = plsc.load_gather(trows_v, [t0, t1, fvec])
                acc = acc + cv * tv
            out_v[pl.ds(k * _D, _D)] = acc
            return carry

        lax.fori_loop(0, _NBLK, step, 0)

        pltpu.sync_copy(out_v, out_hbm.at[pl.ds(cbase, _CPW)])

    return body(tgt_idx2, ctx_idx2, tgt_tab, ctx_tab)


def kernel(target, context, target_table, context_table):
    out = _sc_call(target.reshape(-1).reshape(_NW * _TR, 128),
                   context.reshape(-1).reshape(_NW * _CR, 128),
                   target_table, context_table)
    return out.reshape(_B, _NUM_COLS)

# --- scband reference (transcript-rebuilt; emitter-appended) ---
"""Pipeline reference for scband-word2-vec-16406775071450 (READ-ONLY COPY).

The authoritative reference and input builder live on the scoring server;
editing this copy changes nothing except your own understanding.
"""

import jax, jax.numpy as jnp
import numpy as np

VOCAB_SIZE = 1000000
EMBEDDING_DIM = 16
NUM_NS = 4
BATCH = 16384


def setup_inputs(seed: int = 0) -> dict:
    key = jax.random.key(seed)
    k1, k2, k3, k4 = jax.random.split(key, 4)
    target = jax.random.randint(k1, (BATCH, 1), 0, VOCAB_SIZE, dtype=jnp.int64 if jax.config.jax_enable_x64 else jnp.int32).astype(jnp.int32)
    context = jax.random.randint(k2, (BATCH, NUM_NS + 1), 0, VOCAB_SIZE).astype(jnp.int32)
    # Learned parameters: two embedding tables (keras Embedding default init is uniform(-0.05, 0.05))
    target_table = jax.random.uniform(k3, (VOCAB_SIZE, EMBEDDING_DIM), dtype=jnp.float32, minval=-0.05, maxval=0.05)
    context_table = jax.random.uniform(k4, (VOCAB_SIZE, EMBEDDING_DIM), dtype=jnp.float32, minval=-0.05, maxval=0.05)
    return {"target": target, "context": context, "target_table": target_table, "context_table": context_table}


def reference(target, context, target_table, context_table):
    # target_embedding lookup: [B, 1] -> [B, 1, D]
    word_emb = jnp.take(target_table, target, axis=0)
    # context_embedding lookup: [B, num_ns+1] -> [B, num_ns+1, D]
    context_emb = jnp.take(context_table, context, axis=0)
    # Dot(axes=(3,2)) over embedding dim: [B, num_ns+1, D] x [B, 1, D] -> [B, num_ns+1, 1]
    dots = jnp.einsum('bcd,bud->bcu', context_emb, word_emb)
    # Flatten: [B, num_ns+1, 1] -> [B, num_ns+1]
    return dots.reshape(dots.shape[0], -1)

if __name__ == "__main__":
    import jax
    _d = setup_inputs()
    print(jax.jit(kernel)(*tuple(_d.values())))

</pallas_src>

<mosaic_0001>
#map = affine_map<(d0, d1) -> (0, 0)>
#map1 = affine_map<(d0, d1) -> (0)>
module attributes {stable_mosaic.version = 14 : i64} {
  func.func @body(%arg0: i32, %arg1: i32, %arg2: memref<128x128xi32, #tpu.memory_space<hbm>>, %arg3: memref<640x128xi32, #tpu.memory_space<hbm>>, %arg4: memref<1000000x16xf32, #tpu.memory_space<hbm>>, %arg5: memref<1000000x16xf32, #tpu.memory_space<hbm>>, %arg6: memref<81920xf32, #tpu.memory_space<hbm>>, %arg7: memref<4x128xi32, #tpu.memory_space<vmem>>, %arg8: memref<20x128xi32, #tpu.memory_space<vmem>>, %arg9: memref<4x128x16xf32, #tpu.memory_space<vmem>>, %arg10: memref<20x128x16xf32, #tpu.memory_space<vmem>>, %arg11: memref<2560xf32, #tpu.memory_space<vmem>>, %arg12: memref<!tpu.dma_semaphore, #tpu.memory_space<semaphore_mem>>) attributes {dimension_semantics = [#tpu.dimension_semantics<core_parallel>, #tpu.dimension_semantics<subcore_parallel>], iteration_bounds = array<i64: 2, 16>, scalar_prefetch = 0 : i64, scratch_operands = 6 : i64, tpu.core_type = #tpu.core_type<sc_vector_subcore>, window_params = [{transform_indices = #map}, {transform_indices = #map}, {transform_indices = #map}, {transform_indices = #map}, {transform_indices = #map1}]} {
    %mul3A = arith.constant 2 : i32
    %mul3A_0 = arith.muli %arg1, %mul3A : i32
    %add3A = arith.addi %mul3A_0, %arg0 : i32
    %mul3A_1 = arith.constant 2560 : i32
    %mul3A_2 = arith.muli %add3A, %mul3A_1 : i32
    %mul3A_3 = arith.constant 4 : i32
    %mul3A_4 = arith.muli %add3A, %mul3A_3 : i32
    "tpu.region"() ({
      %run_scoped3A = tpu.sem_alloc : memref<!tpu.dma_semaphore, #tpu.memory_space<semaphore_mem>>
      %dma_start3A_590 = arith.constant 0 : i32
      %dma_start3A_591 = tpu.memref_slice %arg2[%mul3A_4, %dma_start3A_590] : memref<128x128xi32, #tpu.memory_space<hbm>> -> memref<4x128xi32, #tpu.memory_space<hbm>>
      %dma_start3A_592 = arith.constant 0 : i32
      %dma_start3A_593 = tpu.memref_slice %arg2[%mul3A_4, %dma_start3A_592] : memref<128x128xi32, #tpu.memory_space<hbm>> -> memref<4x128xi32, #tpu.memory_space<hbm>>
      tpu.enqueue_dma source(%dma_start3A_593 : memref<4x128xi32, #tpu.memory_space<hbm>>) target(%arg7 : memref<4x128xi32, #tpu.memory_space<vmem>>) target_semaphore(%run_scoped3A : memref<!tpu.dma_semaphore, #tpu.memory_space<semaphore_mem>>)
      %dma_wait3A_594 = arith.constant 0 : i32
      %dma_wait3A_595 = tpu.memref_slice %arg2[%mul3A_4, %dma_wait3A_594] : memref<128x128xi32, #tpu.memory_space<hbm>> -> memref<4x128xi32, #tpu.memory_space<hbm>>
      %dma_wait3A_596 = arith.constant 0 : i32
      %dma_wait3A_597 = tpu.memref_slice %arg2[%mul3A_4, %dma_wait3A_596] : memref<128x128xi32, #tpu.memory_space<hbm>> -> memref<4x128xi32, #tpu.memory_space<hbm>>
      tpu.wait_dma2 semaphore(%run_scoped3A : memref<!tpu.dma_semaphore, #tpu.memory_space<semaphore_mem>>) src(%dma_wait3A_597 : memref<4x128xi32, #tpu.memory_space<hbm>>) dst(%arg7 : memref<4x128xi32, #tpu.memory_space<vmem>>)
      tpu.yield
    }) : () -> ()
    %mul3A_5 = arith.constant 20 : i32
    %mul3A_6 = arith.muli %add3A, %mul3A_5 : i32
    "tpu.region"() ({
      %run_scoped3A = tpu.sem_alloc : memref<!tpu.dma_semaphore, #tpu.memory_space<semaphore_mem>>
      %dma_start3A_590 = arith.constant 0 : i32
      %dma_start3A_591 = tpu.memref_slice %arg3[%mul3A_6, %dma_start3A_590] : memref<640x128xi32, #tpu.memory_space<hbm>> -> memref<20x128xi32, #tpu.memory_space<hbm>>
      %dma_start3A_592 = arith.constant 0 : i32
      %dma_start3A_593 = tpu.memref_slice %arg3[%mul3A_6, %dma_start3A_592] : memref<640x128xi32, #tpu.memory_space<hbm>> -> memref<20x128xi32, #tpu.memory_space<hbm>>
      tpu.enqueue_dma source(%dma_start3A_593 : memref<20x128xi32, #tpu.memory_space<hbm>>) target(%arg8 : memref<20x128xi32, #tpu.memory_space<vmem>>) target_semaphore(%run_scoped3A : memref<!tpu.dma_semaphore, #tpu.memory_space<semaphore_mem>>)
      %dma_wait3A_594 = arith.constant 0 : i32
      %dma_wait3A_595 = tpu.memref_slice %arg3[%mul3A_6, %dma_wait3A_594] : memref<640x128xi32, #tpu.memory_space<hbm>> -> memref<20x128xi32, #tpu.memory_space<hbm>>
      %dma_wait3A_596 = arith.constant 0 : i32
      %dma_wait3A_597 = tpu.memref_slice %arg3[%mul3A_6, %dma_wait3A_596] : memref<640x128xi32, #tpu.memory_space<hbm>> -> memref<20x128xi32, #tpu.memory_space<hbm>>
      tpu.wait_dma2 semaphore(%run_scoped3A : memref<!tpu.dma_semaphore, #tpu.memory_space<semaphore_mem>>) src(%dma_wait3A_597 : memref<20x128xi32, #tpu.memory_space<hbm>>) dst(%arg8 : memref<20x128xi32, #tpu.memory_space<vmem>>)
      tpu.yield
    }) : () -> ()
    %dma_start3A = arith.constant 0 : i32
    %dma_start3A_7 = arith.constant 0 : i32
    %dma_start3A_8 = arith.constant 0 : i32
    %dma_start3A_9 = arith.constant 0 : i32
    %dma_start3A_10 = tpu.memref_slice %arg9[%dma_start3A_7, %dma_start3A_8, %dma_start3A_9] : memref<4x128x16xf32, #tpu.memory_space<vmem>> -> memref<1x128x16xf32, #tpu.memory_space<vmem>>
    %dma_start3A_11 = tpu.memref_squeeze %dma_start3A_10 : memref<1x128x16xf32, #tpu.memory_space<vmem>> -> memref<128x16xf32, #tpu.memory_space<vmem>>
    %dma_start3A_12 = arith.constant 0 : i32
    %dma_start3A_13 = tpu.memref_slice %arg7[%dma_start3A, %dma_start3A_12] : memref<4x128xi32, #tpu.memory_space<vmem>> -> memref<1x128xi32, #tpu.memory_space<vmem>>
    %dma_start3A_14 = tpu.memref_squeeze %dma_start3A_13 : memref<1x128xi32, #tpu.memory_space<vmem>> -> memref<128xi32, #tpu.memory_space<vmem>>
    %dma_start3A_15 = arith.constant 0 : i32
    %dma_start3A_16 = arith.constant 0 : i32
    %dma_start3A_17 = tpu.memref_slice %arg4[%dma_start3A_15, %dma_start3A_16] : memref<1000000x16xf32, #tpu.memory_space<hbm>> -> memref<1000000x16xf32, #tpu.memory_space<hbm>>
    tpu.enqueue_indirect_dma source(%dma_start3A_17 : memref<1000000x16xf32, #tpu.memory_space<hbm>>) target(%dma_start3A_11 : memref<128x16xf32, #tpu.memory_space<vmem>>) offsets(%dma_start3A_14 : memref<128xi32, #tpu.memory_space<vmem>>) semaphore(%arg12 : memref<!tpu.dma_semaphore, #tpu.memory_space<semaphore_mem>>)
    %dma_start3A_18 = arith.constant 1 : i32
    %dma_start3A_19 = arith.constant 1 : i32
    %dma_start3A_20 = arith.constant 0 : i32
    %dma_start3A_21 = arith.constant 0 : i32
    %dma_start3A_22 = tpu.memref_slice %arg9[%dma_start3A_19, %dma_start3A_20, %dma_start3A_21] : memref<4x128x16xf32, #tpu.memory_space<vmem>> -> memref<1x128x16xf32, #tpu.memory_space<vmem>>
    %dma_start3A_23 = tpu.memref_squeeze %dma_start3A_22 : memref<1x128x16xf32, #tpu.memory_space<vmem>> -> memref<128x16xf32, #tpu.memory_space<vmem>>
    %dma_start3A_24 = arith.constant 0 : i32
    %dma_start3A_25 = tpu.memref_slice %arg7[%dma_start3A_18, %dma_start3A_24] : memref<4x128xi32, #tpu.memory_space<vmem>> -> memref<1x128xi32, #tpu.memory_space<vmem>>
    %dma_start3A_26 = tpu.memref_squeeze %dma_start3A_25 : memref<1x128xi32, #tpu.memory_space<vmem>> -> memref<128xi32, #tpu.memory_space<vmem>>
    %dma_start3A_27 = arith.constant 0 : i32
    %dma_start3A_28 = arith.constant 0 : i32
    %dma_start3A_29 = tpu.memref_slice %arg4[%dma_start3A_27, %dma_start3A_28] : memref<1000000x16xf32, #tpu.memory_space<hbm>> -> memref<1000000x16xf32, #tpu.memory_space<hbm>>
    tpu.enqueue_indirect_dma source(%dma_start3A_29 : memref<1000000x16xf32, #tpu.memory_space<hbm>>) target(%dma_start3A_23 : memref<128x16xf32, #tpu.memory_space<vmem>>) offsets(%dma_start3A_26 : memref<128xi32, #tpu.memory_space<vmem>>) semaphore(%arg12 : memref<!tpu.dma_semaphore, #tpu.memory_space<semaphore_mem>>)
    %dma_start3A_30 = arith.constant 2 : i32
    %dma_start3A_31 = arith.constant 2 : i32
    %dma_start3A_32 = arith.constant 0 : i32
    %dma_start3A_33 = arith.constant 0 : i32
    %dma_start3A_34 = tpu.memref_slice %arg9[%dma_start3A_31, %dma_start3A_32, %dma_start3A_33] : memref<4x128x16xf32, #tpu.memory_space<vmem>> -> memref<1x128x16xf32, #tpu.memory_space<vmem>>
    %dma_start3A_35 = tpu.memref_squeeze %dma_start3A_34 : memref<1x128x16xf32, #tpu.memory_space<vmem>> -> memref<128x16xf32, #tpu.memory_space<vmem>>
    %dma_start3A_36 = arith.constant 0 : i32
    %dma_start3A_37 = tpu.memref_slice %arg7[%dma_start3A_30, %dma_start3A_36] : memref<4x128xi32, #tpu.memory_space<vmem>> -> memref<1x128xi32, #tpu.memory_space<vmem>>
    %dma_start3A_38 = tpu.memref_squeeze %dma_start3A_37 : memref<1x128xi32, #tpu.memory_space<vmem>> -> memref<128xi32, #tpu.memory_space<vmem>>
    %dma_start3A_39 = arith.constant 0 : i32
    %dma_start3A_40 = arith.constant 0 : i32
    %dma_start3A_41 = tpu.memref_slice %arg4[%dma_start3A_39, %dma_start3A_40] : memref<1000000x16xf32, #tpu.memory_space<hbm>> -> memref<1000000x16xf32, #tpu.memory_space<hbm>>
    tpu.enqueue_indirect_dma source(%dma_start3A_41 : memref<1000000x16xf32, #tpu.memory_space<hbm>>) target(%dma_start3A_35 : memref<128x16xf32, #tpu.memory_space<vmem>>) offsets(%dma_start3A_38 : memref<128xi32, #tpu.memory_space<vmem>>) semaphore(%arg12 : memref<!tpu.dma_semaphore, #tpu.memory_space<semaphore_mem>>)
    %dma_start3A_42 = arith.constant 3 : i32
    %dma_start3A_43 = arith.constant 3 : i32
    %dma_start3A_44 = arith.constant 0 : i32
    %dma_start3A_45 = arith.constant 0 : i32
    %dma_start3A_46 = tpu.memref_slice %arg9[%dma_start3A_43, %dma_start3A_44, %dma_start3A_45] : memref<4x128x16xf32, #tpu.memory_space<vmem>> -> memref<1x128x16xf32, #tpu.memory_space<vmem>>
    %dma_start3A_47 = tpu.memref_squeeze %dma_start3A_46 : memref<1x128x16xf32, #tpu.memory_space<vmem>> -> memref<128x16xf32, #tpu.memory_space<vmem>>
    %dma_start3A_48 = arith.constant 0 : i32
    %dma_start3A_49 = tpu.memref_slice %arg7[%dma_start3A_42, %dma_start3A_48] : memref<4x128xi32, #tpu.memory_space<vmem>> -> memref<1x128xi32, #tpu.memory_space<vmem>>
    %dma_start3A_50 = tpu.memref_squeeze %dma_start3A_49 : memref<1x128xi32, #tpu.memory_space<vmem>> -> memref<128xi32, #tpu.memory_space<vmem>>
    %dma_start3A_51 = arith.constant 0 : i32
    %dma_start3A_52 = arith.constant 0 : i32
    %dma_start3A_53 = tpu.memref_slice %arg4[%dma_start3A_51, %dma_start3A_52] : memref<1000000x16xf32, #tpu.memory_space<hbm>> -> memref<1000000x16xf32, #tpu.memory_space<hbm>>
    tpu.enqueue_indirect_dma source(%dma_start3A_53 : memref<1000000x16xf32, #tpu.memory_space<hbm>>) target(%dma_start3A_47 : memref<128x16xf32, #tpu.memory_space<vmem>>) offsets(%dma_start3A_50 : memref<128xi32, #tpu.memory_space<vmem>>) semaphore(%arg12 : memref<!tpu.dma_semaphore, #tpu.memory_space<semaphore_mem>>)
    %dma_start3A_54 = arith.constant 0 : i32
    %dma_start3A_55 = arith.constant 0 : i32
    %dma_start3A_56 = arith.constant 0 : i32
    %dma_start3A_57 = arith.constant 0 : i32
    %dma_start3A_58 = tpu.memref_slice %arg10[%dma_start3A_55, %dma_start3A_56, %dma_start3A_57] : memref<20x128x16xf32, #tpu.memory_space<vmem>> -> memref<1x128x16xf32, #tpu.memory_space<vmem>>
    %dma_start3A_59 = tpu.memref_squeeze %dma_start3A_58 : memref<1x128x16xf32, #tpu.memory_space<vmem>> -> memref<128x16xf32, #tpu.memory_space<vmem>>
    %dma_start3A_60 = arith.constant 0 : i32
    %dma_start3A_61 = tpu.memref_slice %arg8[%dma_start3A_54, %dma_start3A_60] : memref<20x128xi32, #tpu.memory_space<vmem>> -> memref<1x128xi32, #tpu.memory_space<vmem>>
    %dma_start3A_62 = tpu.memref_squeeze %dma_start3A_61 : memref<1x128xi32, #tpu.memory_space<vmem>> -> memref<128xi32, #tpu.memory_space<vmem>>
    %dma_start3A_63 = arith.constant 0 : i32
    %dma_start3A_64 = arith.constant 0 : i32
    %dma_start3A_65 = tpu.memref_slice %arg5[%dma_start3A_63, %dma_start3A_64] : memref<1000000x16xf32, #tpu.memory_space<hbm>> -> memref<1000000x16xf32, #tpu.memory_space<hbm>>
    tpu.enqueue_indirect_dma source(%dma_start3A_65 : memref<1000000x16xf32, #tpu.memory_space<hbm>>) target(%dma_start3A_59 : memref<128x16xf32, #tpu.memory_space<vmem>>) offsets(%dma_start3A_62 : memref<128xi32, #tpu.memory_space<vmem>>) semaphore(%arg12 : memref<!tpu.dma_semaphore, #tpu.memory_space<semaphore_mem>>)
    %dma_start3A_66 = arith.constant 1 : i32
    %dma_start3A_67 = arith.constant 1 : i32
    %dma_start3A_68 = arith.constant 0 : i32
    %dma_start3A_69 = arith.constant 0 : i32
    %dma_start3A_70 = tpu.memref_slice %arg10[%dma_start3A_67, %dma_start3A_68, %dma_start3A_69] : memref<20x128x16xf32, #tpu.memory_space<vmem>> -> memref<1x128x16xf32, #tpu.memory_space<vmem>>
    %dma_start3A_71 = tpu.memref_squeeze %dma_start3A_70 : memref<1x128x16xf32, #tpu.memory_space<vmem>> -> memref<128x16xf32, #tpu.memory_space<vmem>>
    %dma_start3A_72 = arith.constant 0 : i32
    %dma_start3A_73 = tpu.memref_slice %arg8[%dma_start3A_66, %dma_start3A_72] : memref<20x128xi32, #tpu.memory_space<vmem>> -> memref<1x128xi32, #tpu.memory_space<vmem>>
    %dma_start3A_74 = tpu.memref_squeeze %dma_start3A_73 : memref<1x128xi32, #tpu.memory_space<vmem>> -> memref<128xi32, #tpu.memory_space<vmem>>
    %dma_start3A_75 = arith.constant 0 : i32
    %dma_start3A_76 = arith.constant 0 : i32
    %dma_start3A_77 = tpu.memref_slice %arg5[%dma_start3A_75, %dma_start3A_76] : memref<1000000x16xf32, #tpu.memory_space<hbm>> -> memref<1000000x16xf32, #tpu.memory_space<hbm>>
    tpu.enqueue_indirect_dma source(%dma_start3A_77 : memref<1000000x16xf32, #tpu.memory_space<hbm>>) target(%dma_start3A_71 : memref<128x16xf32, #tpu.memory_space<vmem>>) offsets(%dma_start3A_74 : memref<128xi32, #tpu.memory_space<vmem>>) semaphore(%arg12 : memref<!tpu.dma_semaphore, #tpu.memory_space<semaphore_mem>>)
    %dma_start3A_78 = arith.constant 2 : i32
    %dma_start3A_79 = arith.constant 2 : i32
    %dma_start3A_80 = arith.constant 0 : i32
    %dma_start3A_81 = arith.constant 0 : i32
    %dma_start3A_82 = tpu.memref_slice %arg10[%dma_start3A_79, %dma_start3A_80, %dma_start3A_81] : memref<20x128x16xf32, #tpu.memory_space<vmem>> -> memref<1x128x16xf32, #tpu.memory_space<vmem>>
    %dma_start3A_83 = tpu.memref_squeeze %dma_start3A_82 : memref<1x128x16xf32, #tpu.memory_space<vmem>> -> memref<128x16xf32, #tpu.memory_space<vmem>>
    %dma_start3A_84 = arith.constant 0 : i32
    %dma_start3A_85 = tpu.memref_slice %arg8[%dma_start3A_78, %dma_start3A_84] : memref<20x128xi32, #tpu.memory_space<vmem>> -> memref<1x128xi32, #tpu.memory_space<vmem>>
    %dma_start3A_86 = tpu.memref_squeeze %dma_start3A_85 : memref<1x128xi32, #tpu.memory_space<vmem>> -> memref<128xi32, #tpu.memory_space<vmem>>
    %dma_start3A_87 = arith.constant 0 : i32
    %dma_start3A_88 = arith.constant 0 : i32
    %dma_start3A_89 = tpu.memref_slice %arg5[%dma_start3A_87, %dma_start3A_88] : memref<1000000x16xf32, #tpu.memory_space<hbm>> -> memref<1000000x16xf32, #tpu.memory_space<hbm>>
    tpu.enqueue_indirect_dma source(%dma_start3A_89 : memref<1000000x16xf32, #tpu.memory_space<hbm>>) target(%dma_start3A_83 : memref<128x16xf32, #tpu.memory_space<vmem>>) offsets(%dma_start3A_86 : memref<128xi32, #tpu.memory_space<vmem>>) semaphore(%arg12 : memref<!tpu.dma_semaphore, #tpu.memory_space<semaphore_mem>>)
    %dma_start3A_90 = arith.constant 3 : i32
    %dma_start3A_91 = arith.constant 3 : i32
    %dma_start3A_92 = arith.constant 0 : i32
    %dma_start3A_93 = arith.constant 0 : i32
    %dma_start3A_94 = tpu.memref_slice %arg10[%dma_start3A_91, %dma_start3A_92, %dma_start3A_93] : memref<20x128x16xf32, #tpu.memory_space<vmem>> -> memref<1x128x16xf32, #tpu.memory_space<vmem>>
    %dma_start3A_95 = tpu.memref_squeeze %dma_start3A_94 : memref<1x128x16xf32, #tpu.memory_space<vmem>> -> memref<128x16xf32, #tpu.memory_space<vmem>>
    %dma_start3A_96 = arith.constant 0 : i32
    %dma_start3A_97 = tpu.memref_slice %arg8[%dma_start3A_90, %dma_start3A_96] : memref<20x128xi32, #tpu.memory_space<vmem>> -> memref<1x128xi32, #tpu.memory_space<vmem>>
    %dma_start3A_98 = tpu.memref_squeeze %dma_start3A_97 : memref<1x128xi32, #tpu.memory_space<vmem>> -> memref<128xi32, #tpu.memory_space<vmem>>
    %dma_start3A_99 = arith.constant 0 : i32
    %dma_start3A_100 = arith.constant 0 : i32
    %dma_start3A_101 = tpu.memref_slice %arg5[%dma_start3A_99, %dma_start3A_100] : memref<1000000x16xf32, #tpu.memory_space<hbm>> -> memref<1000000x16xf32, #tpu.memory_space<hbm>>
    tpu.enqueue_indirect_dma source(%dma_start3A_101 : memref<1000000x16xf32, #tpu.memory_space<hbm>>) target(%dma_start3A_95 : memref<128x16xf32, #tpu.memory_space<vmem>>) offsets(%dma_start3A_98 : memref<128xi32, #tpu.memory_space<vmem>>) semaphore(%arg12 : memref<!tpu.dma_semaphore, #tpu.memory_space<semaphore_mem>>)
    %dma_start3A_102 = arith.constant 4 : i32
    %dma_start3A_103 = arith.constant 4 : i32
    %dma_start3A_104 = arith.constant 0 : i32
    %dma_start3A_105 = arith.constant 0 : i32
    %dma_start3A_106 = tpu.memref_slice %arg10[%dma_start3A_103, %dma_start3A_104, %dma_start3A_105] : memref<20x128x16xf32, #tpu.memory_space<vmem>> -> memref<1x128x16xf32, #tpu.memory_space<vmem>>
    %dma_start3A_107 = tpu.memref_squeeze %dma_start3A_106 : memref<1x128x16xf32, #tpu.memory_space<vmem>> -> memref<128x16xf32, #tpu.memory_space<vmem>>
    %dma_start3A_108 = arith.constant 0 : i32
    %dma_start3A_109 = tpu.memref_slice %arg8[%dma_start3A_102, %dma_start3A_108] : memref<20x128xi32, #tpu.memory_space<vmem>> -> memref<1x128xi32, #tpu.memory_space<vmem>>
    %dma_start3A_110 = tpu.memref_squeeze %dma_start3A_109 : memref<1x128xi32, #tpu.memory_space<vmem>> -> memref<128xi32, #tpu.memory_space<vmem>>
    %dma_start3A_111 = arith.constant 0 : i32
    %dma_start3A_112 = arith.constant 0 : i32
    %dma_start3A_113 = tpu.memref_slice %arg5[%dma_start3A_111, %dma_start3A_112] : memref<1000000x16xf32, #tpu.memory_space<hbm>> -> memref<1000000x16xf32, #tpu.memory_space<hbm>>
    tpu.enqueue_indirect_dma source(%dma_start3A_113 : memref<1000000x16xf32, #tpu.memory_space<hbm>>) target(%dma_start3A_107 : memref<128x16xf32, #tpu.memory_space<vmem>>) offsets(%dma_start3A_110 : memref<128xi32, #tpu.memory_space<vmem>>) semaphore(%arg12 : memref<!tpu.dma_semaphore, #tpu.memory_space<semaphore_mem>>)
    %dma_start3A_114 = arith.constant 5 : i32
    %dma_start3A_115 = arith.constant 5 : i32
    %dma_start3A_116 = arith.constant 0 : i32
    %dma_start3A_117 = arith.constant 0 : i32
    %dma_start3A_118 = tpu.memref_slice %arg10[%dma_start3A_115, %dma_start3A_116, %dma_start3A_117] : memref<20x128x16xf32, #tpu.memory_space<vmem>> -> memref<1x128x16xf32, #tpu.memory_space<vmem>>
    %dma_start3A_119 = tpu.memref_squeeze %dma_start3A_118 : memref<1x128x16xf32, #tpu.memory_space<vmem>> -> memref<128x16xf32, #tpu.memory_space<vmem>>
    %dma_start3A_120 = arith.constant 0 : i32
    %dma_start3A_121 = tpu.memref_slice %arg8[%dma_start3A_114, %dma_start3A_120] : memref<20x128xi32, #tpu.memory_space<vmem>> -> memref<1x128xi32, #tpu.memory_space<vmem>>
    %dma_start3A_122 = tpu.memref_squeeze %dma_start3A_121 : memref<1x128xi32, #tpu.memory_space<vmem>> -> memref<128xi32, #tpu.memory_space<vmem>>
    %dma_start3A_123 = arith.constant 0 : i32
    %dma_start3A_124 = arith.constant 0 : i32
    %dma_start3A_125 = tpu.memref_slice %arg5[%dma_start3A_123, %dma_start3A_124] : memref<1000000x16xf32, #tpu.memory_space<hbm>> -> memref<1000000x16xf32, #tpu.memory_space<hbm>>
    tpu.enqueue_indirect_dma source(%dma_start3A_125 : memref<1000000x16xf32, #tpu.memory_space<hbm>>) target(%dma_start3A_119 : memref<128x16xf32, #tpu.memory_space<vmem>>) offsets(%dma_start3A_122 : memref<128xi32, #tpu.memory_space<vmem>>) semaphore(%arg12 : memref<!tpu.dma_semaphore, #tpu.memory_space<semaphore_mem>>)
    %dma_start3A_126 = arith.constant 6 : i32
    %dma_start3A_127 = arith.constant 6 : i32
    %dma_start3A_128 = arith.constant 0 : i32
    %dma_start3A_129 = arith.constant 0 : i32
    %dma_start3A_130 = tpu.memref_slice %arg10[%dma_start3A_127, %dma_start3A_128, %dma_start3A_129] : memref<20x128x16xf32, #tpu.memory_space<vmem>> -> memref<1x128x16xf32, #tpu.memory_space<vmem>>
    %dma_start3A_131 = tpu.memref_squeeze %dma_start3A_130 : memref<1x128x16xf32, #tpu.memory_space<vmem>> -> memref<128x16xf32, #tpu.memory_space<vmem>>
    %dma_start3A_132 = arith.constant 0 : i32
    %dma_start3A_133 = tpu.memref_slice %arg8[%dma_start3A_126, %dma_start3A_132] : memref<20x128xi32, #tpu.memory_space<vmem>> -> memref<1x128xi32, #tpu.memory_space<vmem>>
    %dma_start3A_134 = tpu.memref_squeeze %dma_start3A_133 : memref<1x128xi32, #tpu.memory_space<vmem>> -> memref<128xi32, #tpu.memory_space<vmem>>
    %dma_start3A_135 = arith.constant 0 : i32
    %dma_start3A_136 = arith.constant 0 : i32
    %dma_start3A_137 = tpu.memref_slice %arg5[%dma_start3A_135, %dma_start3A_136] : memref<1000000x16xf32, #tpu.memory_space<hbm>> -> memref<1000000x16xf32, #tpu.memory_space<hbm>>
    tpu.enqueue_indirect_dma source(%dma_start3A_137 : memref<1000000x16xf32, #tpu.memory_space<hbm>>) target(%dma_start3A_131 : memref<128x16xf32, #tpu.memory_space<vmem>>) offsets(%dma_start3A_134 : memref<128xi32, #tpu.memory_space<vmem>>) semaphore(%arg12 : memref<!tpu.dma_semaphore, #tpu.memory_space<semaphore_mem>>)
    %dma_start3A_138 = arith.constant 7 : i32
    %dma_start3A_139 = arith.constant 7 : i32
    %dma_start3A_140 = arith.constant 0 : i32
    %dma_start3A_141 = arith.constant 0 : i32
    %dma_start3A_142 = tpu.memref_slice %arg10[%dma_start3A_139, %dma_start3A_140, %dma_start3A_141] : memref<20x128x16xf32, #tpu.memory_space<vmem>> -> memref<1x128x16xf32, #tpu.memory_space<vmem>>
    %dma_start3A_143 = tpu.memref_squeeze %dma_start3A_142 : memref<1x128x16xf32, #tpu.memory_space<vmem>> -> memref<128x16xf32, #tpu.memory_space<vmem>>
    %dma_start3A_144 = arith.constant 0 : i32
    %dma_start3A_145 = tpu.memref_slice %arg8[%dma_start3A_138, %dma_start3A_144] : memref<20x128xi32, #tpu.memory_space<vmem>> -> memref<1x128xi32, #tpu.memory_space<vmem>>
    %dma_start3A_146 = tpu.memref_squeeze %dma_start3A_145 : memref<1x128xi32, #tpu.memory_space<vmem>> -> memref<128xi32, #tpu.memory_space<vmem>>
    %dma_start3A_147 = arith.constant 0 : i32
    %dma_start3A_148 = arith.constant 0 : i32
    %dma_start3A_149 = tpu.memref_slice %arg5[%dma_start3A_147, %dma_start3A_148] : memref<1000000x16xf32, #tpu.memory_space<hbm>> -> memref<1000000x16xf32, #tpu.memory_space<hbm>>
    tpu.enqueue_indirect_dma source(%dma_start3A_149 : memref<1000000x16xf32, #tpu.memory_space<hbm>>) target(%dma_start3A_143 : memref<128x16xf32, #tpu.memory_space<vmem>>) offsets(%dma_start3A_146 : memref<128xi32, #tpu.memory_space<vmem>>) semaphore(%arg12 : memref<!tpu.dma_semaphore, #tpu.memory_space<semaphore_mem>>)
    %dma_start3A_150 = arith.constant 8 : i32
    %dma_start3A_151 = arith.constant 8 : i32
    %dma_start3A_152 = arith.constant 0 : i32
    %dma_start3A_153 = arith.constant 0 : i32
    %dma_start3A_154 = tpu.memref_slice %arg10[%dma_start3A_151, %dma_start3A_152, %dma_start3A_153] : memref<20x128x16xf32, #tpu.memory_space<vmem>> -> memref<1x128x16xf32, #tpu.memory_space<vmem>>
    %dma_start3A_155 = tpu.memref_squeeze %dma_start3A_154 : memref<1x128x16xf32, #tpu.memory_space<vmem>> -> memref<128x16xf32, #tpu.memory_space<vmem>>
    %dma_start3A_156 = arith.constant 0 : i32
    %dma_start3A_157 = tpu.memref_slice %arg8[%dma_start3A_150, %dma_start3A_156] : memref<20x128xi32, #tpu.memory_space<vmem>> -> memref<1x128xi32, #tpu.memory_space<vmem>>
    %dma_start3A_158 = tpu.memref_squeeze %dma_start3A_157 : memref<1x128xi32, #tpu.memory_space<vmem>> -> memref<128xi32, #tpu.memory_space<vmem>>
    %dma_start3A_159 = arith.constant 0 : i32
    %dma_start3A_160 = arith.constant 0 : i32
    %dma_start3A_161 = tpu.memref_slice %arg5[%dma_start3A_159, %dma_start3A_160] : memref<1000000x16xf32, #tpu.memory_space<hbm>> -> memref<1000000x16xf32, #tpu.memory_space<hbm>>
    tpu.enqueue_indirect_dma source(%dma_start3A_161 : memref<1000000x16xf32, #tpu.memory_space<hbm>>) target(%dma_start3A_155 : memref<128x16xf32, #tpu.memory_space<vmem>>) offsets(%dma_start3A_158 : memref<128xi32, #tpu.memory_space<vmem>>) semaphore(%arg12 : memref<!tpu.dma_semaphore, #tpu.memory_space<semaphore_mem>>)
    %dma_start3A_162 = arith.constant 9 : i32
    %dma_start3A_163 = arith.constant 9 : i32
    %dma_start3A_164 = arith.constant 0 : i32
    %dma_start3A_165 = arith.constant 0 : i32
    %dma_start3A_166 = tpu.memref_slice %arg10[%dma_start3A_163, %dma_start3A_164, %dma_start3A_165] : memref<20x128x16xf32, #tpu.memory_space<vmem>> -> memref<1x128x16xf32, #tpu.memory_space<vmem>>
    %dma_start3A_167 = tpu.memref_squeeze %dma_start3A_166 : memref<1x128x16xf32, #tpu.memory_space<vmem>> -> memref<128x16xf32, #tpu.memory_space<vmem>>
    %dma_start3A_168 = arith.constant 0 : i32
    %dma_start3A_169 = tpu.memref_slice %arg8[%dma_start3A_162, %dma_start3A_168] : memref<20x128xi32, #tpu.memory_space<vmem>> -> memref<1x128xi32, #tpu.memory_space<vmem>>
    %dma_start3A_170 = tpu.memref_squeeze %dma_start3A_169 : memref<1x128xi32, #tpu.memory_space<vmem>> -> memref<128xi32, #tpu.memory_space<vmem>>
    %dma_start3A_171 = arith.constant 0 : i32
    %dma_start3A_172 = arith.constant 0 : i32
    %dma_start3A_173 = tpu.memref_slice %arg5[%dma_start3A_171, %dma_start3A_172] : memref<1000000x16xf32, #tpu.memory_space<hbm>> -> memref<1000000x16xf32, #tpu.memory_space<hbm>>
    tpu.enqueue_indirect_dma source(%dma_start3A_173 : memref<1000000x16xf32, #tpu.memory_space<hbm>>) target(%dma_start3A_167 : memref<128x16xf32, #tpu.memory_space<vmem>>) offsets(%dma_start3A_170 : memref<128xi32, #tpu.memory_space<vmem>>) semaphore(%arg12 : memref<!tpu.dma_semaphore, #tpu.memory_space<semaphore_mem>>)
    %dma_start3A_174 = arith.constant 10 : i32
    %dma_start3A_175 = arith.constant 10 : i32
    %dma_start3A_176 = arith.constant 0 : i32
    %dma_start3A_177 = arith.constant 0 : i32
    %dma_start3A_178 = tpu.memref_slice %arg10[%dma_start3A_175, %dma_start3A_176, %dma_start3A_177] : memref<20x128x16xf32, #tpu.memory_space<vmem>> -> memref<1x128x16xf32, #tpu.memory_space<vmem>>
    %dma_start3A_179 = tpu.memref_squeeze %dma_start3A_178 : memref<1x128x16xf32, #tpu.memory_space<vmem>> -> memref<128x16xf32, #tpu.memory_space<vmem>>
    %dma_start3A_180 = arith.constant 0 : i32
    %dma_start3A_181 = tpu.memref_slice %arg8[%dma_start3A_174, %dma_start3A_180] : memref<20x128xi32, #tpu.memory_space<vmem>> -> memref<1x128xi32, #tpu.memory_space<vmem>>
    %dma_start3A_182 = tpu.memref_squeeze %dma_start3A_181 : memref<1x128xi32, #tpu.memory_space<vmem>> -> memref<128xi32, #tpu.memory_space<vmem>>
    %dma_start3A_183 = arith.constant 0 : i32
    %dma_start3A_184 = arith.constant 0 : i32
    %dma_start3A_185 = tpu.memref_slice %arg5[%dma_start3A_183, %dma_start3A_184] : memref<1000000x16xf32, #tpu.memory_space<hbm>> -> memref<1000000x16xf32, #tpu.memory_space<hbm>>
    tpu.enqueue_indirect_dma source(%dma_start3A_185 : memref<1000000x16xf32, #tpu.memory_space<hbm>>) target(%dma_start3A_179 : memref<128x16xf32, #tpu.memory_space<vmem>>) offsets(%dma_start3A_182 : memref<128xi32, #tpu.memory_space<vmem>>) semaphore(%arg12 : memref<!tpu.dma_semaphore, #tpu.memory_space<semaphore_mem>>)
    %dma_start3A_186 = arith.constant 11 : i32
    %dma_start3A_187 = arith.constant 11 : i32
    %dma_start3A_188 = arith.constant 0 : i32
    %dma_start3A_189 = arith.constant 0 : i32
    %dma_start3A_190 = tpu.memref_slice %arg10[%dma_start3A_187, %dma_start3A_188, %dma_start3A_189] : memref<20x128x16xf32, #tpu.memory_space<vmem>> -> memref<1x128x16xf32, #tpu.memory_space<vmem>>
    %dma_start3A_191 = tpu.memref_squeeze %dma_start3A_190 : memref<1x128x16xf32, #tpu.memory_space<vmem>> -> memref<128x16xf32, #tpu.memory_space<vmem>>
    %dma_start3A_192 = arith.constant 0 : i32
    %dma_start3A_193 = tpu.memref_slice %arg8[%dma_start3A_186, %dma_start3A_192] : memref<20x128xi32, #tpu.memory_space<vmem>> -> memref<1x128xi32, #tpu.memory_space<vmem>>
    %dma_start3A_194 = tpu.memref_squeeze %dma_start3A_193 : memref<1x128xi32, #tpu.memory_space<vmem>> -> memref<128xi32, #tpu.memory_space<vmem>>
    %dma_start3A_195 = arith.constant 0 : i32
    %dma_start3A_196 = arith.constant 0 : i32
    %dma_start3A_197 = tpu.memref_slice %arg5[%dma_start3A_195, %dma_start3A_196] : memref<1000000x16xf32, #tpu.memory_space<hbm>> -> memref<1000000x16xf32, #tpu.memory_space<hbm>>
    tpu.enqueue_indirect_dma source(%dma_start3A_197 : memref<1000000x16xf32, #tpu.memory_space<hbm>>) target(%dma_start3A_191 : memref<128x16xf32, #tpu.memory_space<vmem>>) offsets(%dma_start3A_194 : memref<128xi32, #tpu.memory_space<vmem>>) semaphore(%arg12 : memref<!tpu.dma_semaphore, #tpu.memory_space<semaphore_mem>>)
    %dma_start3A_198 = arith.constant 12 : i32
    %dma_start3A_199 = arith.constant 12 : i32
    %dma_start3A_200 = arith.constant 0 : i32
    %dma_start3A_201 = arith.constant 0 : i32
    %dma_start3A_202 = tpu.memref_slice %arg10[%dma_start3A_199, %dma_start3A_200, %dma_start3A_201] : memref<20x128x16xf32, #tpu.memory_space<vmem>> -> memref<1x128x16xf32, #tpu.memory_space<vmem>>
    %dma_start3A_203 = tpu.memref_squeeze %dma_start3A_202 : memref<1x128x16xf32, #tpu.memory_space<vmem>> -> memref<128x16xf32, #tpu.memory_space<vmem>>
    %dma_start3A_204 = arith.constant 0 : i32
    %dma_start3A_205 = tpu.memref_slice %arg8[%dma_start3A_198, %dma_start3A_204] : memref<20x128xi32, #tpu.memory_space<vmem>> -> memref<1x128xi32, #tpu.memory_space<vmem>>
    %dma_start3A_206 = tpu.memref_squeeze %dma_start3A_205 : memref<1x128xi32, #tpu.memory_space<vmem>> -> memref<128xi32, #tpu.memory_space<vmem>>
    %dma_start3A_207 = arith.constant 0 : i32
    %dma_start3A_208 = arith.constant 0 : i32
    %dma_start3A_209 = tpu.memref_slice %arg5[%dma_start3A_207, %dma_start3A_208] : memref<1000000x16xf32, #tpu.memory_space<hbm>> -> memref<1000000x16xf32, #tpu.memory_space<hbm>>
    tpu.enqueue_indirect_dma source(%dma_start3A_209 : memref<1000000x16xf32, #tpu.memory_space<hbm>>) target(%dma_start3A_203 : memref<128x16xf32, #tpu.memory_space<vmem>>) offsets(%dma_start3A_206 : memref<128xi32, #tpu.memory_space<vmem>>) semaphore(%arg12 : memref<!tpu.dma_semaphore, #tpu.memory_space<semaphore_mem>>)
    %dma_start3A_210 = arith.constant 13 : i32
    %dma_start3A_211 = arith.constant 13 : i32
    %dma_start3A_212 = arith.constant 0 : i32
    %dma_start3A_213 = arith.constant 0 : i32
    %dma_start3A_214 = tpu.memref_slice %arg10[%dma_start3A_211, %dma_start3A_212, %dma_start3A_213] : memref<20x128x16xf32, #tpu.memory_space<vmem>> -> memref<1x128x16xf32, #tpu.memory_space<vmem>>
    %dma_start3A_215 = tpu.memref_squeeze %dma_start3A_214 : memref<1x128x16xf32, #tpu.memory_space<vmem>> -> memref<128x16xf32, #tpu.memory_space<vmem>>
    %dma_start3A_216 = arith.constant 0 : i32
    %dma_start3A_217 = tpu.memref_slice %arg8[%dma_start3A_210, %dma_start3A_216] : memref<20x128xi32, #tpu.memory_space<vmem>> -> memref<1x128xi32, #tpu.memory_space<vmem>>
    %dma_start3A_218 = tpu.memref_squeeze %dma_start3A_217 : memref<1x128xi32, #tpu.memory_space<vmem>> -> memref<128xi32, #tpu.memory_space<vmem>>
    %dma_start3A_219 = arith.constant 0 : i32
    %dma_start3A_220 = arith.constant 0 : i32
    %dma_start3A_221 = tpu.memref_slice %arg5[%dma_start3A_219, %dma_start3A_220] : memref<1000000x16xf32, #tpu.memory_space<hbm>> -> memref<1000000x16xf32, #tpu.memory_space<hbm>>
    tpu.enqueue_indirect_dma source(%dma_start3A_221 : memref<1000000x16xf32, #tpu.memory_space<hbm>>) target(%dma_start3A_215 : memref<128x16xf32, #tpu.memory_space<vmem>>) offsets(%dma_start3A_218 : memref<128xi32, #tpu.memory_space<vmem>>) semaphore(%arg12 : memref<!tpu.dma_semaphore, #tpu.memory_space<semaphore_mem>>)
    %dma_start3A_222 = arith.constant 14 : i32
    %dma_start3A_223 = arith.constant 14 : i32
    %dma_start3A_224 = arith.constant 0 : i32
    %dma_start3A_225 = arith.constant 0 : i32
    %dma_start3A_226 = tpu.memref_slice %arg10[%dma_start3A_223, %dma_start3A_224, %dma_start3A_225] : memref<20x128x16xf32, #tpu.memory_space<vmem>> -> memref<1x128x16xf32, #tpu.memory_space<vmem>>
    %dma_start3A_227 = tpu.memref_squeeze %dma_start3A_226 : memref<1x128x16xf32, #tpu.memory_space<vmem>> -> memref<128x16xf32, #tpu.memory_space<vmem>>
    %dma_start3A_228 = arith.constant 0 : i32
    %dma_start3A_229 = tpu.memref_slice %arg8[%dma_start3A_222, %dma_start3A_228] : memref<20x128xi32, #tpu.memory_space<vmem>> -> memref<1x128xi32, #tpu.memory_space<vmem>>
    %dma_start3A_230 = tpu.memref_squeeze %dma_start3A_229 : memref<1x128xi32, #tpu.memory_space<vmem>> -> memref<128xi32, #tpu.memory_space<vmem>>
    %dma_start3A_231 = arith.constant 0 : i32
    %dma_start3A_232 = arith.constant 0 : i32
    %dma_start3A_233 = tpu.memref_slice %arg5[%dma_start3A_231, %dma_start3A_232] : memref<1000000x16xf32, #tpu.memory_space<hbm>> -> memref<1000000x16xf32, #tpu.memory_space<hbm>>
    tpu.enqueue_indirect_dma source(%dma_start3A_233 : memref<1000000x16xf32, #tpu.memory_space<hbm>>) target(%dma_start3A_227 : memref<128x16xf32, #tpu.memory_space<vmem>>) offsets(%dma_start3A_230 : memref<128xi32, #tpu.memory_space<vmem>>) semaphore(%arg12 : memref<!tpu.dma_semaphore, #tpu.memory_space<semaphore_mem>>)
    %dma_start3A_234 = arith.constant 15 : i32
    %dma_start3A_235 = arith.constant 15 : i32
    %dma_start3A_236 = arith.constant 0 : i32
    %dma_start3A_237 = arith.constant 0 : i32
    %dma_start3A_238 = tpu.memref_slice %arg10[%dma_start3A_235, %dma_start3A_236, %dma_start3A_237] : memref<20x128x16xf32, #tpu.memory_space<vmem>> -> memref<1x128x16xf32, #tpu.memory_space<vmem>>
    %dma_start3A_239 = tpu.memref_squeeze %dma_start3A_238 : memref<1x128x16xf32, #tpu.memory_space<vmem>> -> memref<128x16xf32, #tpu.memory_space<vmem>>
    %dma_start3A_240 = arith.constant 0 : i32
    %dma_start3A_241 = tpu.memref_slice %arg8[%dma_start3A_234, %dma_start3A_240] : memref<20x128xi32, #tpu.memory_space<vmem>> -> memref<1x128xi32, #tpu.memory_space<vmem>>
    %dma_start3A_242 = tpu.memref_squeeze %dma_start3A_241 : memref<1x128xi32, #tpu.memory_space<vmem>> -> memref<128xi32, #tpu.memory_space<vmem>>
    %dma_start3A_243 = arith.constant 0 : i32
    %dma_start3A_244 = arith.constant 0 : i32
    %dma_start3A_245 = tpu.memref_slice %arg5[%dma_start3A_243, %dma_start3A_244] : memref<1000000x16xf32, #tpu.memory_space<hbm>> -> memref<1000000x16xf32, #tpu.memory_space<hbm>>
    tpu.enqueue_indirect_dma source(%dma_start3A_245 : memref<1000000x16xf32, #tpu.memory_space<hbm>>) target(%dma_start3A_239 : memref<128x16xf32, #tpu.memory_space<vmem>>) offsets(%dma_start3A_242 : memref<128xi32, #tpu.memory_space<vmem>>) semaphore(%arg12 : memref<!tpu.dma_semaphore, #tpu.memory_space<semaphore_mem>>)
    %dma_start3A_246 = arith.constant 16 : i32
    %dma_start3A_247 = arith.constant 16 : i32
    %dma_start3A_248 = arith.constant 0 : i32
    %dma_start3A_249 = arith.constant 0 : i32
    %dma_start3A_250 = tpu.memref_slice %arg10[%dma_start3A_247, %dma_start3A_248, %dma_start3A_249] : memref<20x128x16xf32, #tpu.memory_space<vmem>> -> memref<1x128x16xf32, #tpu.memory_space<vmem>>
    %dma_start3A_251 = tpu.memref_squeeze %dma_start3A_250 : memref<1x128x16xf32, #tpu.memory_space<vmem>> -> memref<128x16xf32, #tpu.memory_space<vmem>>
    %dma_start3A_252 = arith.constant 0 : i32
    %dma_start3A_253 = tpu.memref_slice %arg8[%dma_start3A_246, %dma_start3A_252] : memref<20x128xi32, #tpu.memory_space<vmem>> -> memref<1x128xi32, #tpu.memory_space<vmem>>
    %dma_start3A_254 = tpu.memref_squeeze %dma_start3A_253 : memref<1x128xi32, #tpu.memory_space<vmem>> -> memref<128xi32, #tpu.memory_space<vmem>>
    %dma_start3A_255 = arith.constant 0 : i32
    %dma_start3A_256 = arith.constant 0 : i32
    %dma_start3A_257 = tpu.memref_slice %arg5[%dma_start3A_255, %dma_start3A_256] : memref<1000000x16xf32, #tpu.memory_space<hbm>> -> memref<1000000x16xf32, #tpu.memory_space<hbm>>
    tpu.enqueue_indirect_dma source(%dma_start3A_257 : memref<1000000x16xf32, #tpu.memory_space<hbm>>) target(%dma_start3A_251 : memref<128x16xf32, #tpu.memory_space<vmem>>) offsets(%dma_start3A_254 : memref<128xi32, #tpu.memory_space<vmem>>) semaphore(%arg12 : memref<!tpu.dma_semaphore, #tpu.memory_space<semaphore_mem>>)
    %dma_start3A_258 = arith.constant 17 : i32
    %dma_start3A_259 = arith.constant 17 : i32
    %dma_start3A_260 = arith.constant 0 : i32
    %dma_start3A_261 = arith.constant 0 : i32
    %dma_start3A_262 = tpu.memref_slice %arg10[%dma_start3A_259, %dma_start3A_260, %dma_start3A_261] : memref<20x128x16xf32, #tpu.memory_space<vmem>> -> memref<1x128x16xf32, #tpu.memory_space<vmem>>
    %dma_start3A_263 = tpu.memref_squeeze %dma_start3A_262 : memref<1x128x16xf32, #tpu.memory_space<vmem>> -> memref<128x16xf32, #tpu.memory_space<vmem>>
    %dma_start3A_264 = arith.constant 0 : i32
    %dma_start3A_265 = tpu.memref_slice %arg8[%dma_start3A_258, %dma_start3A_264] : memref<20x128xi32, #tpu.memory_space<vmem>> -> memref<1x128xi32, #tpu.memory_space<vmem>>
    %dma_start3A_266 = tpu.memref_squeeze %dma_start3A_265 : memref<1x128xi32, #tpu.memory_space<vmem>> -> memref<128xi32, #tpu.memory_space<vmem>>
    %dma_start3A_267 = arith.constant 0 : i32
    %dma_start3A_268 = arith.constant 0 : i32
    %dma_start3A_269 = tpu.memref_slice %arg5[%dma_start3A_267, %dma_start3A_268] : memref<1000000x16xf32, #tpu.memory_space<hbm>> -> memref<1000000x16xf32, #tpu.memory_space<hbm>>
    tpu.enqueue_indirect_dma source(%dma_start3A_269 : memref<1000000x16xf32, #tpu.memory_space<hbm>>) target(%dma_start3A_263 : memref<128x16xf32, #tpu.memory_space<vmem>>) offsets(%dma_start3A_266 : memref<128xi32, #tpu.memory_space<vmem>>) semaphore(%arg12 : memref<!tpu.dma_semaphore, #tpu.memory_space<semaphore_mem>>)
    %dma_start3A_270 = arith.constant 18 : i32
    %dma_start3A_271 = arith.constant 18 : i32
    %dma_start3A_272 = arith.constant 0 : i32
    %dma_start3A_273 = arith.constant 0 : i32
    %dma_start3A_274 = tpu.memref_slice %arg10[%dma_start3A_271, %dma_start3A_272, %dma_start3A_273] : memref<20x128x16xf32, #tpu.memory_space<vmem>> -> memref<1x128x16xf32, #tpu.memory_space<vmem>>
    %dma_start3A_275 = tpu.memref_squeeze %dma_start3A_274 : memref<1x128x16xf32, #tpu.memory_space<vmem>> -> memref<128x16xf32, #tpu.memory_space<vmem>>
    %dma_start3A_276 = arith.constant 0 : i32
    %dma_start3A_277 = tpu.memref_slice %arg8[%dma_start3A_270, %dma_start3A_276] : memref<20x128xi32, #tpu.memory_space<vmem>> -> memref<1x128xi32, #tpu.memory_space<vmem>>
    %dma_start3A_278 = tpu.memref_squeeze %dma_start3A_277 : memref<1x128xi32, #tpu.memory_space<vmem>> -> memref<128xi32, #tpu.memory_space<vmem>>
    %dma_start3A_279 = arith.constant 0 : i32
    %dma_start3A_280 = arith.constant 0 : i32
    %dma_start3A_281 = tpu.memref_slice %arg5[%dma_start3A_279, %dma_start3A_280] : memref<1000000x16xf32, #tpu.memory_space<hbm>> -> memref<1000000x16xf32, #tpu.memory_space<hbm>>
    tpu.enqueue_indirect_dma source(%dma_start3A_281 : memref<1000000x16xf32, #tpu.memory_space<hbm>>) target(%dma_start3A_275 : memref<128x16xf32, #tpu.memory_space<vmem>>) offsets(%dma_start3A_278 : memref<128xi32, #tpu.memory_space<vmem>>) semaphore(%arg12 : memref<!tpu.dma_semaphore, #tpu.memory_space<semaphore_mem>>)
    %dma_start3A_282 = arith.constant 19 : i32
    %dma_start3A_283 = arith.constant 19 : i32
    %dma_start3A_284 = arith.constant 0 : i32
    %dma_start3A_285 = arith.constant 0 : i32
    %dma_start3A_286 = tpu.memref_slice %arg10[%dma_start3A_283, %dma_start3A_284, %dma_start3A_285] : memref<20x128x16xf32, #tpu.memory_space<vmem>> -> memref<1x128x16xf32, #tpu.memory_space<vmem>>
    %dma_start3A_287 = tpu.memref_squeeze %dma_start3A_286 : memref<1x128x16xf32, #tpu.memory_space<vmem>> -> memref<128x16xf32, #tpu.memory_space<vmem>>
    %dma_start3A_288 = arith.constant 0 : i32
    %dma_start3A_289 = tpu.memref_slice %arg8[%dma_start3A_282, %dma_start3A_288] : memref<20x128xi32, #tpu.memory_space<vmem>> -> memref<1x128xi32, #tpu.memory_space<vmem>>
    %dma_start3A_290 = tpu.memref_squeeze %dma_start3A_289 : memref<1x128xi32, #tpu.memory_space<vmem>> -> memref<128xi32, #tpu.memory_space<vmem>>
    %dma_start3A_291 = arith.constant 0 : i32
    %dma_start3A_292 = arith.constant 0 : i32
    %dma_start3A_293 = tpu.memref_slice %arg5[%dma_start3A_291, %dma_start3A_292] : memref<1000000x16xf32, #tpu.memory_space<hbm>> -> memref<1000000x16xf32, #tpu.memory_space<hbm>>
    tpu.enqueue_indirect_dma source(%dma_start3A_293 : memref<1000000x16xf32, #tpu.memory_space<hbm>>) target(%dma_start3A_287 : memref<128x16xf32, #tpu.memory_space<vmem>>) offsets(%dma_start3A_290 : memref<128xi32, #tpu.memory_space<vmem>>) semaphore(%arg12 : memref<!tpu.dma_semaphore, #tpu.memory_space<semaphore_mem>>)
    %dma_wait3A = arith.constant 0 : i32
    %dma_wait3A_294 = arith.constant 0 : i32
    %dma_wait3A_295 = arith.constant 0 : i32
    %dma_wait3A_296 = arith.constant 0 : i32
    %dma_wait3A_297 = tpu.memref_slice %arg9[%dma_wait3A_294, %dma_wait3A_295, %dma_wait3A_296] : memref<4x128x16xf32, #tpu.memory_space<vmem>> -> memref<1x128x16xf32, #tpu.memory_space<vmem>>
    %dma_wait3A_298 = tpu.memref_squeeze %dma_wait3A_297 : memref<1x128x16xf32, #tpu.memory_space<vmem>> -> memref<128x16xf32, #tpu.memory_space<vmem>>
    %dma_wait3A_299 = arith.constant 0 : i32
    %dma_wait3A_300 = tpu.memref_slice %arg7[%dma_wait3A, %dma_wait3A_299] : memref<4x128xi32, #tpu.memory_space<vmem>> -> memref<1x128xi32, #tpu.memory_space<vmem>>
    %dma_wait3A_301 = tpu.memref_squeeze %dma_wait3A_300 : memref<1x128xi32, #tpu.memory_space<vmem>> -> memref<128xi32, #tpu.memory_space<vmem>>
    %dma_wait3A_302 = arith.constant 0 : i32
    %dma_wait3A_303 = arith.constant 0 : i32
    %dma_wait3A_304 = tpu.memref_slice %arg4[%dma_wait3A_302, %dma_wait3A_303] : memref<1000000x16xf32, #tpu.memory_space<hbm>> -> memref<1000000x16xf32, #tpu.memory_space<hbm>>
    tpu.wait_indirect_dma semaphore(%arg12 : memref<!tpu.dma_semaphore, #tpu.memory_space<semaphore_mem>>) src(%dma_wait3A_304 : memref<1000000x16xf32, #tpu.memory_space<hbm>>) dst(%dma_wait3A_298 : memref<128x16xf32, #tpu.memory_space<vmem>>)
    %dma_wait3A_305 = arith.constant 1 : i32
    %dma_wait3A_306 = arith.constant 1 : i32
    %dma_wait3A_307 = arith.constant 0 : i32
    %dma_wait3A_308 = arith.constant 0 : i32
    %dma_wait3A_309 = tpu.memref_slice %arg9[%dma_wait3A_306, %dma_wait3A_307, %dma_wait3A_308] : memref<4x128x16xf32, #tpu.memory_space<vmem>> -> memref<1x128x16xf32, #tpu.memory_space<vmem>>
    %dma_wait3A_310 = tpu.memref_squeeze %dma_wait3A_309 : memref<1x128x16xf32, #tpu.memory_space<vmem>> -> memref<128x16xf32, #tpu.memory_space<vmem>>
    %dma_wait3A_311 = arith.constant 0 : i32
    %dma_wait3A_312 = tpu.memref_slice %arg7[%dma_wait3A_305, %dma_wait3A_311] : memref<4x128xi32, #tpu.memory_space<vmem>> -> memref<1x128xi32, #tpu.memory_space<vmem>>
    %dma_wait3A_313 = tpu.memref_squeeze %dma_wait3A_312 : memref<1x128xi32, #tpu.memory_space<vmem>> -> memref<128xi32, #tpu.memory_space<vmem>>
    %dma_wait3A_314 = arith.constant 0 : i32
    %dma_wait3A_315 = arith.constant 0 : i32
    %dma_wait3A_316 = tpu.memref_slice %arg4[%dma_wait3A_314, %dma_wait3A_315] : memref<1000000x16xf32, #tpu.memory_space<hbm>> -> memref<1000000x16xf32, #tpu.memory_space<hbm>>
    tpu.wait_indirect_dma semaphore(%arg12 : memref<!tpu.dma_semaphore, #tpu.memory_space<semaphore_mem>>) src(%dma_wait3A_316 : memref<1000000x16xf32, #tpu.memory_space<hbm>>) dst(%dma_wait3A_310 : memref<128x16xf32, #tpu.memory_space<vmem>>)
    %dma_wait3A_317 = arith.constant 2 : i32
    %dma_wait3A_318 = arith.constant 2 : i32
    %dma_wait3A_319 = arith.constant 0 : i32
    %dma_wait3A_320 = arith.constant 0 : i32
    %dma_wait3A_321 = tpu.memref_slice %arg9[%dma_wait3A_318, %dma_wait3A_319, %dma_wait3A_320] : memref<4x128x16xf32, #tpu.memory_space<vmem>> -> memref<1x128x16xf32, #tpu.memory_space<vmem>>
    %dma_wait3A_322 = tpu.memref_squeeze %dma_wait3A_321 : memref<1x128x16xf32, #tpu.memory_space<vmem>> -> memref<128x16xf32, #tpu.memory_space<vmem>>
    %dma_wait3A_323 = arith.constant 0 : i32
    %dma_wait3A_324 = tpu.memref_slice %arg7[%dma_wait3A_317, %dma_wait3A_323] : memref<4x128xi32, #tpu.memory_space<vmem>> -> memref<1x128xi32, #tpu.memory_space<vmem>>
    %dma_wait3A_325 = tpu.memref_squeeze %dma_wait3A_324 : memref<1x128xi32, #tpu.memory_space<vmem>> -> memref<128xi32, #tpu.memory_space<vmem>>
    %dma_wait3A_326 = arith.constant 0 : i32
    %dma_wait3A_327 = arith.constant 0 : i32
    %dma_wait3A_328 = tpu.memref_slice %arg4[%dma_wait3A_326, %dma_wait3A_327] : memref<1000000x16xf32, #tpu.memory_space<hbm>> -> memref<1000000x16xf32, #tpu.memory_space<hbm>>
    tpu.wait_indirect_dma semaphore(%arg12 : memref<!tpu.dma_semaphore, #tpu.memory_space<semaphore_mem>>) src(%dma_wait3A_328 : memref<1000000x16xf32, #tpu.memory_space<hbm>>) dst(%dma_wait3A_322 : memref<128x16xf32, #tpu.memory_space<vmem>>)
    %dma_wait3A_329 = arith.constant 3 : i32
    %dma_wait3A_330 = arith.constant 3 : i32
    %dma_wait3A_331 = arith.constant 0 : i32
    %dma_wait3A_332 = arith.constant 0 : i32
    %dma_wait3A_333 = tpu.memref_slice %arg9[%dma_wait3A_330, %dma_wait3A_331, %dma_wait3A_332] : memref<4x128x16xf32, #tpu.memory_space<vmem>> -> memref<1x128x16xf32, #tpu.memory_space<vmem>>
    %dma_wait3A_334 = tpu.memref_squeeze %dma_wait3A_333 : memref<1x128x16xf32, #tpu.memory_space<vmem>> -> memref<128x16xf32, #tpu.memory_space<vmem>>
    %dma_wait3A_335 = arith.constant 0 : i32
    %dma_wait3A_336 = tpu.memref_slice %arg7[%dma_wait3A_329, %dma_wait3A_335] : memref<4x128xi32, #tpu.memory_space<vmem>> -> memref<1x128xi32, #tpu.memory_space<vmem>>
    %dma_wait3A_337 = tpu.memref_squeeze %dma_wait3A_336 : memref<1x128xi32, #tpu.memory_space<vmem>> -> memref<128xi32, #tpu.memory_space<vmem>>
    %dma_wait3A_338 = arith.constant 0 : i32
    %dma_wait3A_339 = arith.constant 0 : i32
    %dma_wait3A_340 = tpu.memref_slice %arg4[%dma_wait3A_338, %dma_wait3A_339] : memref<1000000x16xf32, #tpu.memory_space<hbm>> -> memref<1000000x16xf32, #tpu.memory_space<hbm>>
    tpu.wait_indirect_dma semaphore(%arg12 : memref<!tpu.dma_semaphore, #tpu.memory_space<semaphore_mem>>) src(%dma_wait3A_340 : memref<1000000x16xf32, #tpu.memory_space<hbm>>) dst(%dma_wait3A_334 : memref<128x16xf32, #tpu.memory_space<vmem>>)
    %dma_wait3A_341 = arith.constant 0 : i32
    %dma_wait3A_342 = arith.constant 0 : i32
    %dma_wait3A_343 = arith.constant 0 : i32
    %dma_wait3A_344 = arith.constant 0 : i32
    %dma_wait3A_345 = tpu.memref_slice %arg10[%dma_wait3A_342, %dma_wait3A_343, %dma_wait3A_344] : memref<20x128x16xf32, #tpu.memory_space<vmem>> -> memref<1x128x16xf32, #tpu.memory_space<vmem>>
    %dma_wait3A_346 = tpu.memref_squeeze %dma_wait3A_345 : memref<1x128x16xf32, #tpu.memory_space<vmem>> -> memref<128x16xf32, #tpu.memory_space<vmem>>
    %dma_wait3A_347 = arith.constant 0 : i32
    %dma_wait3A_348 = tpu.memref_slice %arg8[%dma_wait3A_341, %dma_wait3A_347] : memref<20x128xi32, #tpu.memory_space<vmem>> -> memref<1x128xi32, #tpu.memory_space<vmem>>
    %dma_wait3A_349 = tpu.memref_squeeze %dma_wait3A_348 : memref<1x128xi32, #tpu.memory_space<vmem>> -> memref<128xi32, #tpu.memory_space<vmem>>
    %dma_wait3A_350 = arith.constant 0 : i32
    %dma_wait3A_351 = arith.constant 0 : i32
    %dma_wait3A_352 = tpu.memref_slice %arg5[%dma_wait3A_350, %dma_wait3A_351] : memref<1000000x16xf32, #tpu.memory_space<hbm>> -> memref<1000000x16xf32, #tpu.memory_space<hbm>>
    tpu.wait_indirect_dma semaphore(%arg12 : memref<!tpu.dma_semaphore, #tpu.memory_space<semaphore_mem>>) src(%dma_wait3A_352 : memref<1000000x16xf32, #tpu.memory_space<hbm>>) dst(%dma_wait3A_346 : memref<128x16xf32, #tpu.memory_space<vmem>>)
    %dma_wait3A_353 = arith.constant 1 : i32
    %dma_wait3A_354 = arith.constant 1 : i32
    %dma_wait3A_355 = arith.constant 0 : i32
    %dma_wait3A_356 = arith.constant 0 : i32
    %dma_wait3A_357 = tpu.memref_slice %arg10[%dma_wait3A_354, %dma_wait3A_355, %dma_wait3A_356] : memref<20x128x16xf32, #tpu.memory_space<vmem>> -> memref<1x128x16xf32, #tpu.memory_space<vmem>>
    %dma_wait3A_358 = tpu.memref_squeeze %dma_wait3A_357 : memref<1x128x16xf32, #tpu.memory_space<vmem>> -> memref<128x16xf32, #tpu.memory_space<vmem>>
    %dma_wait3A_359 = arith.constant 0 : i32
    %dma_wait3A_360 = tpu.memref_slice %arg8[%dma_wait3A_353, %dma_wait3A_359] : memref<20x128xi32, #tpu.memory_space<vmem>> -> memref<1x128xi32, #tpu.memory_space<vmem>>
    %dma_wait3A_361 = tpu.memref_squeeze %dma_wait3A_360 : memref<1x128xi32, #tpu.memory_space<vmem>> -> memref<128xi32, #tpu.memory_space<vmem>>
    %dma_wait3A_362 = arith.constant 0 : i32
    %dma_wait3A_363 = arith.constant 0 : i32
    %dma_wait3A_364 = tpu.memref_slice %arg5[%dma_wait3A_362, %dma_wait3A_363] : memref<1000000x16xf32, #tpu.memory_space<hbm>> -> memref<1000000x16xf32, #tpu.memory_space<hbm>>
    tpu.wait_indirect_dma semaphore(%arg12 : memref<!tpu.dma_semaphore, #tpu.memory_space<semaphore_mem>>) src(%dma_wait3A_364 : memref<1000000x16xf32, #tpu.memory_space<hbm>>) dst(%dma_wait3A_358 : memref<128x16xf32, #tpu.memory_space<vmem>>)
    %dma_wait3A_365 = arith.constant 2 : i32
    %dma_wait3A_366 = arith.constant 2 : i32
    %dma_wait3A_367 = arith.constant 0 : i32
    %dma_wait3A_368 = arith.constant 0 : i32
    %dma_wait3A_369 = tpu.memref_slice %arg10[%dma_wait3A_366, %dma_wait3A_367, %dma_wait3A_368] : memref<20x128x16xf32, #tpu.memory_space<vmem>> -> memref<1x128x16xf32, #tpu.memory_space<vmem>>
    %dma_wait3A_370 = tpu.memref_squeeze %dma_wait3A_369 : memref<1x128x16xf32, #tpu.memory_space<vmem>> -> memref<128x16xf32, #tpu.memory_space<vmem>>
    %dma_wait3A_371 = arith.constant 0 : i32
    %dma_wait3A_372 = tpu.memref_slice %arg8[%dma_wait3A_365, %dma_wait3A_371] : memref<20x128xi32, #tpu.memory_space<vmem>> -> memref<1x128xi32, #tpu.memory_space<vmem>>
    %dma_wait3A_373 = tpu.memref_squeeze %dma_wait3A_372 : memref<1x128xi32, #tpu.memory_space<vmem>> -> memref<128xi32, #tpu.memory_space<vmem>>
    %dma_wait3A_374 = arith.constant 0 : i32
    %dma_wait3A_375 = arith.constant 0 : i32
    %dma_wait3A_376 = tpu.memref_slice %arg5[%dma_wait3A_374, %dma_wait3A_375] : memref<1000000x16xf32, #tpu.memory_space<hbm>> -> memref<1000000x16xf32, #tpu.memory_space<hbm>>
    tpu.wait_indirect_dma semaphore(%arg12 : memref<!tpu.dma_semaphore, #tpu.memory_space<semaphore_mem>>) src(%dma_wait3A_376 : memref<1000000x16xf32, #tpu.memory_space<hbm>>) dst(%dma_wait3A_370 : memref<128x16xf32, #tpu.memory_space<vmem>>)
    %dma_wait3A_377 = arith.constant 3 : i32
    %dma_wait3A_378 = arith.constant 3 : i32
    %dma_wait3A_379 = arith.constant 0 : i32
    %dma_wait3A_380 = arith.constant 0 : i32
    %dma_wait3A_381 = tpu.memref_slice %arg10[%dma_wait3A_378, %dma_wait3A_379, %dma_wait3A_380] : memref<20x128x16xf32, #tpu.memory_space<vmem>> -> memref<1x128x16xf32, #tpu.memory_space<vmem>>
    %dma_wait3A_382 = tpu.memref_squeeze %dma_wait3A_381 : memref<1x128x16xf32, #tpu.memory_space<vmem>> -> memref<128x16xf32, #tpu.memory_space<vmem>>
    %dma_wait3A_383 = arith.constant 0 : i32
    %dma_wait3A_384 = tpu.memref_slice %arg8[%dma_wait3A_377, %dma_wait3A_383] : memref<20x128xi32, #tpu.memory_space<vmem>> -> memref<1x128xi32, #tpu.memory_space<vmem>>
    %dma_wait3A_385 = tpu.memref_squeeze %dma_wait3A_384 : memref<1x128xi32, #tpu.memory_space<vmem>> -> memref<128xi32, #tpu.memory_space<vmem>>
    %dma_wait3A_386 = arith.constant 0 : i32
    %dma_wait3A_387 = arith.constant 0 : i32
    %dma_wait3A_388 = tpu.memref_slice %arg5[%dma_wait3A_386, %dma_wait3A_387] : memref<1000000x16xf32, #tpu.memory_space<hbm>> -> memref<1000000x16xf32, #tpu.memory_space<hbm>>
    tpu.wait_indirect_dma semaphore(%arg12 : memref<!tpu.dma_semaphore, #tpu.memory_space<semaphore_mem>>) src(%dma_wait3A_388 : memref<1000000x16xf32, #tpu.memory_space<hbm>>) dst(%dma_wait3A_382 : memref<128x16xf32, #tpu.memory_space<vmem>>)
    %dma_wait3A_389 = arith.constant 4 : i32
    %dma_wait3A_390 = arith.constant 4 : i32
    %dma_wait3A_391 = arith.constant 0 : i32
    %dma_wait3A_392 = arith.constant 0 : i32
    %dma_wait3A_393 = tpu.memref_slice %arg10[%dma_wait3A_390, %dma_wait3A_391, %dma_wait3A_392] : memref<20x128x16xf32, #tpu.memory_space<vmem>> -> memref<1x128x16xf32, #tpu.memory_space<vmem>>
    %dma_wait3A_394 = tpu.memref_squeeze %dma_wait3A_393 : memref<1x128x16xf32, #tpu.memory_space<vmem>> -> memref<128x16xf32, #tpu.memory_space<vmem>>
    %dma_wait3A_395 = arith.constant 0 : i32
    %dma_wait3A_396 = tpu.memref_slice %arg8[%dma_wait3A_389, %dma_wait3A_395] : memref<20x128xi32, #tpu.memory_space<vmem>> -> memref<1x128xi32, #tpu.memory_space<vmem>>
    %dma_wait3A_397 = tpu.memref_squeeze %dma_wait3A_396 : memref<1x128xi32, #tpu.memory_space<vmem>> -> memref<128xi32, #tpu.memory_space<vmem>>
    %dma_wait3A_398 = arith.constant 0 : i32
    %dma_wait3A_399 = arith.constant 0 : i32
    %dma_wait3A_400 = tpu.memref_slice %arg5[%dma_wait3A_398, %dma_wait3A_399] : memref<1000000x16xf32, #tpu.memory_space<hbm>> -> memref<1000000x16xf32, #tpu.memory_space<hbm>>
    tpu.wait_indirect_dma semaphore(%arg12 : memref<!tpu.dma_semaphore, #tpu.memory_space<semaphore_mem>>) src(%dma_wait3A_400 : memref<1000000x16xf32, #tpu.memory_space<hbm>>) dst(%dma_wait3A_394 : memref<128x16xf32, #tpu.memory_space<vmem>>)
    %dma_wait3A_401 = arith.constant 5 : i32
    %dma_wait3A_402 = arith.constant 5 : i32
    %dma_wait3A_403 = arith.constant 0 : i32
    %dma_wait3A_404 = arith.constant 0 : i32
    %dma_wait3A_405 = tpu.memref_slice %arg10[%dma_wait3A_402, %dma_wait3A_403, %dma_wait3A_404] : memref<20x128x16xf32, #tpu.memory_space<vmem>> -> memref<1x128x16xf32, #tpu.memory_space<vmem>>
    %dma_wait3A_406 = tpu.memref_squeeze %dma_wait3A_405 : memref<1x128x16xf32, #tpu.memory_space<vmem>> -> memref<128x16xf32, #tpu.memory_space<vmem>>
    %dma_wait3A_407 = arith.constant 0 : i32
    %dma_wait3A_408 = tpu.memref_slice %arg8[%dma_wait3A_401, %dma_wait3A_407] : memref<20x128xi32, #tpu.memory_space<vmem>> -> memref<1x128xi32, #tpu.memory_space<vmem>>
    %dma_wait3A_409 = tpu.memref_squeeze %dma_wait3A_408 : memref<1x128xi32, #tpu.memory_space<vmem>> -> memref<128xi32, #tpu.memory_space<vmem>>
    %dma_wait3A_410 = arith.constant 0 : i32
    %dma_wait3A_411 = arith.constant 0 : i32
    %dma_wait3A_412 = tpu.memref_slice %arg5[%dma_wait3A_410, %dma_wait3A_411] : memref<1000000x16xf32, #tpu.memory_space<hbm>> -> memref<1000000x16xf32, #tpu.memory_space<hbm>>
    tpu.wait_indirect_dma semaphore(%arg12 : memref<!tpu.dma_semaphore, #tpu.memory_space<semaphore_mem>>) src(%dma_wait3A_412 : memref<1000000x16xf32, #tpu.memory_space<hbm>>) dst(%dma_wait3A_406 : memref<128x16xf32, #tpu.memory_space<vmem>>)
    %dma_wait3A_413 = arith.constant 6 : i32
    %dma_wait3A_414 = arith.constant 6 : i32
    %dma_wait3A_415 = arith.constant 0 : i32
    %dma_wait3A_416 = arith.constant 0 : i32
    %dma_wait3A_417 = tpu.memref_slice %arg10[%dma_wait3A_414, %dma_wait3A_415, %dma_wait3A_416] : memref<20x128x16xf32, #tpu.memory_space<vmem>> -> memref<1x128x16xf32, #tpu.memory_space<vmem>>
    %dma_wait3A_418 = tpu.memref_squeeze %dma_wait3A_417 : memref<1x128x16xf32, #tpu.memory_space<vmem>> -> memref<128x16xf32, #tpu.memory_space<vmem>>
    %dma_wait3A_419 = arith.constant 0 : i32
    %dma_wait3A_420 = tpu.memref_slice %arg8[%dma_wait3A_413, %dma_wait3A_419] : memref<20x128xi32, #tpu.memory_space<vmem>> -> memref<1x128xi32, #tpu.memory_space<vmem>>
    %dma_wait3A_421 = tpu.memref_squeeze %dma_wait3A_420 : memref<1x128xi32, #tpu.memory_space<vmem>> -> memref<128xi32, #tpu.memory_space<vmem>>
    %dma_wait3A_422 = arith.constant 0 : i32
    %dma_wait3A_423 = arith.constant 0 : i32
    %dma_wait3A_424 = tpu.memref_slice %arg5[%dma_wait3A_422, %dma_wait3A_423] : memref<1000000x16xf32, #tpu.memory_space<hbm>> -> memref<1000000x16xf32, #tpu.memory_space<hbm>>
    tpu.wait_indirect_dma semaphore(%arg12 : memref<!tpu.dma_semaphore, #tpu.memory_space<semaphore_mem>>) src(%dma_wait3A_424 : memref<1000000x16xf32, #tpu.memory_space<hbm>>) dst(%dma_wait3A_418 : memref<128x16xf32, #tpu.memory_space<vmem>>)
    %dma_wait3A_425 = arith.constant 7 : i32
    %dma_wait3A_426 = arith.constant 7 : i32
    %dma_wait3A_427 = arith.constant 0 : i32
    %dma_wait3A_428 = arith.constant 0 : i32
    %dma_wait3A_429 = tpu.memref_slice %arg10[%dma_wait3A_426, %dma_wait3A_427, %dma_wait3A_428] : memref<20x128x16xf32, #tpu.memory_space<vmem>> -> memref<1x128x16xf32, #tpu.memory_space<vmem>>
    %dma_wait3A_430 = tpu.memref_squeeze %dma_wait3A_429 : memref<1x128x16xf32, #tpu.memory_space<vmem>> -> memref<128x16xf32, #tpu.memory_space<vmem>>
    %dma_wait3A_431 = arith.constant 0 : i32
    %dma_wait3A_432 = tpu.memref_slice %arg8[%dma_wait3A_425, %dma_wait3A_431] : memref<20x128xi32, #tpu.memory_space<vmem>> -> memref<1x128xi32, #tpu.memory_space<vmem>>
    %dma_wait3A_433 = tpu.memref_squeeze %dma_wait3A_432 : memref<1x128xi32, #tpu.memory_space<vmem>> -> memref<128xi32, #tpu.memory_space<vmem>>
    %dma_wait3A_434 = arith.constant 0 : i32
    %dma_wait3A_435 = arith.constant 0 : i32
    %dma_wait3A_436 = tpu.memref_slice %arg5[%dma_wait3A_434, %dma_wait3A_435] : memref<1000000x16xf32, #tpu.memory_space<hbm>> -> memref<1000000x16xf32, #tpu.memory_space<hbm>>
    tpu.wait_indirect_dma semaphore(%arg12 : memref<!tpu.dma_semaphore, #tpu.memory_space<semaphore_mem>>) src(%dma_wait3A_436 : memref<1000000x16xf32, #tpu.memory_space<hbm>>) dst(%dma_wait3A_430 : memref<128x16xf32, #tpu.memory_space<vmem>>)
    %dma_wait3A_437 = arith.constant 8 : i32
    %dma_wait3A_438 = arith.constant 8 : i32
    %dma_wait3A_439 = arith.constant 0 : i32
    %dma_wait3A_440 = arith.constant 0 : i32
    %dma_wait3A_441 = tpu.memref_slice %arg10[%dma_wait3A_438, %dma_wait3A_439, %dma_wait3A_440] : memref<20x128x16xf32, #tpu.memory_space<vmem>> -> memref<1x128x16xf32, #tpu.memory_space<vmem>>
    %dma_wait3A_442 = tpu.memref_squeeze %dma_wait3A_441 : memref<1x128x16xf32, #tpu.memory_space<vmem>> -> memref<128x16xf32, #tpu.memory_space<vmem>>
    %dma_wait3A_443 = arith.constant 0 : i32
    %dma_wait3A_444 = tpu.memref_slice %arg8[%dma_wait3A_437, %dma_wait3A_443] : memref<20x128xi32, #tpu.memory_space<vmem>> -> memref<1x128xi32, #tpu.memory_space<vmem>>
    %dma_wait3A_445 = tpu.memref_squeeze %dma_wait3A_444 : memref<1x128xi32, #tpu.memory_space<vmem>> -> memref<128xi32, #tpu.memory_space<vmem>>
    %dma_wait3A_446 = arith.constant 0 : i32
    %dma_wait3A_447 = arith.constant 0 : i32
    %dma_wait3A_448 = tpu.memref_slice %arg5[%dma_wait3A_446, %dma_wait3A_447] : memref<1000000x16xf32, #tpu.memory_space<hbm>> -> memref<1000000x16xf32, #tpu.memory_space<hbm>>
    tpu.wait_indirect_dma semaphore(%arg12 : memref<!tpu.dma_semaphore, #tpu.memory_space<semaphore_mem>>) src(%dma_wait3A_448 : memref<1000000x16xf32, #tpu.memory_space<hbm>>) dst(%dma_wait3A_442 : memref<128x16xf32, #tpu.memory_space<vmem>>)
    %dma_wait3A_449 = arith.constant 9 : i32
    %dma_wait3A_450 = arith.constant 9 : i32
    %dma_wait3A_451 = arith.constant 0 : i32
    %dma_wait3A_452 = arith.constant 0 : i32
    %dma_wait3A_453 = tpu.memref_slice %arg10[%dma_wait3A_450, %dma_wait3A_451, %dma_wait3A_452] : memref<20x128x16xf32, #tpu.memory_space<vmem>> -> memref<1x128x16xf32, #tpu.memory_space<vmem>>
    %dma_wait3A_454 = tpu.memref_squeeze %dma_wait3A_453 : memref<1x128x16xf32, #tpu.memory_space<vmem>> -> memref<128x16xf32, #tpu.memory_space<vmem>>
    %dma_wait3A_455 = arith.constant 0 : i32
    %dma_wait3A_456 = tpu.memref_slice %arg8[%dma_wait3A_449, %dma_wait3A_455] : memref<20x128xi32, #tpu.memory_space<vmem>> -> memref<1x128xi32, #tpu.memory_space<vmem>>
    %dma_wait3A_457 = tpu.memref_squeeze %dma_wait3A_456 : memref<1x128xi32, #tpu.memory_space<vmem>> -> memref<128xi32, #tpu.memory_space<vmem>>
    %dma_wait3A_458 = arith.constant 0 : i32
    %dma_wait3A_459 = arith.constant 0 : i32
    %dma_wait3A_460 = tpu.memref_slice %arg5[%dma_wait3A_458, %dma_wait3A_459] : memref<1000000x16xf32, #tpu.memory_space<hbm>> -> memref<1000000x16xf32, #tpu.memory_space<hbm>>
    tpu.wait_indirect_dma semaphore(%arg12 : memref<!tpu.dma_semaphore, #tpu.memory_space<semaphore_mem>>) src(%dma_wait3A_460 : memref<1000000x16xf32, #tpu.memory_space<hbm>>) dst(%dma_wait3A_454 : memref<128x16xf32, #tpu.memory_space<vmem>>)
    %dma_wait3A_461 = arith.constant 10 : i32
    %dma_wait3A_462 = arith.constant 10 : i32
    %dma_wait3A_463 = arith.constant 0 : i32
    %dma_wait3A_464 = arith.constant 0 : i32
    %dma_wait3A_465 = tpu.memref_slice %arg10[%dma_wait3A_462, %dma_wait3A_463, %dma_wait3A_464] : memref<20x128x16xf32, #tpu.memory_space<vmem>> -> memref<1x128x16xf32, #tpu.memory_space<vmem>>
    %dma_wait3A_466 = tpu.memref_squeeze %dma_wait3A_465 : memref<1x128x16xf32, #tpu.memory_space<vmem>> -> memref<128x16xf32, #tpu.memory_space<vmem>>
    %dma_wait3A_467 = arith.constant 0 : i32
    %dma_wait3A_468 = tpu.memref_slice %arg8[%dma_wait3A_461, %dma_wait3A_467] : memref<20x128xi32, #tpu.memory_space<vmem>> -> memref<1x128xi32, #tpu.memory_space<vmem>>
    %dma_wait3A_469 = tpu.memref_squeeze %dma_wait3A_468 : memref<1x128xi32, #tpu.memory_space<vmem>> -> memref<128xi32, #tpu.memory_space<vmem>>
    %dma_wait3A_470 = arith.constant 0 : i32
    %dma_wait3A_471 = arith.constant 0 : i32
    %dma_wait3A_472 = tpu.memref_slice %arg5[%dma_wait3A_470, %dma_wait3A_471] : memref<1000000x16xf32, #tpu.memory_space<hbm>> -> memref<1000000x16xf32, #tpu.memory_space<hbm>>
    tpu.wait_indirect_dma semaphore(%arg12 : memref<!tpu.dma_semaphore, #tpu.memory_space<semaphore_mem>>) src(%dma_wait3A_472 : memref<1000000x16xf32, #tpu.memory_space<hbm>>) dst(%dma_wait3A_466 : memref<128x16xf32, #tpu.memory_space<vmem>>)
    %dma_wait3A_473 = arith.constant 11 : i32
    %dma_wait3A_474 = arith.constant 11 : i32
    %dma_wait3A_475 = arith.constant 0 : i32
    %dma_wait3A_476 = arith.constant 0 : i32
    %dma_wait3A_477 = tpu.memref_slice %arg10[%dma_wait3A_474, %dma_wait3A_475, %dma_wait3A_476] : memref<20x128x16xf32, #tpu.memory_space<vmem>> -> memref<1x128x16xf32, #tpu.memory_space<vmem>>
    %dma_wait3A_478 = tpu.memref_squeeze %dma_wait3A_477 : memref<1x128x16xf32, #tpu.memory_space<vmem>> -> memref<128x16xf32, #tpu.memory_space<vmem>>
    %dma_wait3A_479 = arith.constant 0 : i32
    %dma_wait3A_480 = tpu.memref_slice %arg8[%dma_wait3A_473, %dma_wait3A_479] : memref<20x128xi32, #tpu.memory_space<vmem>> -> memref<1x128xi32, #tpu.memory_space<vmem>>
    %dma_wait3A_481 = tpu.memref_squeeze %dma_wait3A_480 : memref<1x128xi32, #tpu.memory_space<vmem>> -> memref<128xi32, #tpu.memory_space<vmem>>
    %dma_wait3A_482 = arith.constant 0 : i32
    %dma_wait3A_483 = arith.constant 0 : i32
    %dma_wait3A_484 = tpu.memref_slice %arg5[%dma_wait3A_482, %dma_wait3A_483] : memref<1000000x16xf32, #tpu.memory_space<hbm>> -> memref<1000000x16xf32, #tpu.memory_space<hbm>>
    tpu.wait_indirect_dma semaphore(%arg12 : memref<!tpu.dma_semaphore, #tpu.memory_space<semaphore_mem>>) src(%dma_wait3A_484 : memref<1000000x16xf32, #tpu.memory_space<hbm>>) dst(%dma_wait3A_478 : memref<128x16xf32, #tpu.memory_space<vmem>>)
    %dma_wait3A_485 = arith.constant 12 : i32
    %dma_wait3A_486 = arith.constant 12 : i32
    %dma_wait3A_487 = arith.constant 0 : i32
    %dma_wait3A_488 = arith.constant 0 : i32
    %dma_wait3A_489 = tpu.memref_slice %arg10[%dma_wait3A_486, %dma_wait3A_487, %dma_wait3A_488] : memref<20x128x16xf32, #tpu.memory_space<vmem>> -> memref<1x128x16xf32, #tpu.memory_space<vmem>>
    %dma_wait3A_490 = tpu.memref_squeeze %dma_wait3A_489 : memref<1x128x16xf32, #tpu.memory_space<vmem>> -> memref<128x16xf32, #tpu.memory_space<vmem>>
    %dma_wait3A_491 = arith.constant 0 : i32
    %dma_wait3A_492 = tpu.memref_slice %arg8[%dma_wait3A_485, %dma_wait3A_491] : memref<20x128xi32, #tpu.memory_space<vmem>> -> memref<1x128xi32, #tpu.memory_space<vmem>>
    %dma_wait3A_493 = tpu.memref_squeeze %dma_wait3A_492 : memref<1x128xi32, #tpu.memory_space<vmem>> -> memref<128xi32, #tpu.memory_space<vmem>>
    %dma_wait3A_494 = arith.constant 0 : i32
    %dma_wait3A_495 = arith.constant 0 : i32
    %dma_wait3A_496 = tpu.memref_slice %arg5[%dma_wait3A_494, %dma_wait3A_495] : memref<1000000x16xf32, #tpu.memory_space<hbm>> -> memref<1000000x16xf32, #tpu.memory_space<hbm>>
    tpu.wait_indirect_dma semaphore(%arg12 : memref<!tpu.dma_semaphore, #tpu.memory_space<semaphore_mem>>) src(%dma_wait3A_496 : memref<1000000x16xf32, #tpu.memory_space<hbm>>) dst(%dma_wait3A_490 : memref<128x16xf32, #tpu.memory_space<vmem>>)
    %dma_wait3A_497 = arith.constant 13 : i32
    %dma_wait3A_498 = arith.constant 13 : i32
    %dma_wait3A_499 = arith.constant 0 : i32
    %dma_wait3A_500 = arith.constant 0 : i32
    %dma_wait3A_501 = tpu.memref_slice %arg10[%dma_wait3A_498, %dma_wait3A_499, %dma_wait3A_500] : memref<20x128x16xf32, #tpu.memory_space<vmem>> -> memref<1x128x16xf32, #tpu.memory_space<vmem>>
    %dma_wait3A_502 = tpu.memref_squeeze %dma_wait3A_501 : memref<1x128x16xf32, #tpu.memory_space<vmem>> -> memref<128x16xf32, #tpu.memory_space<vmem>>
    %dma_wait3A_503 = arith.constant 0 : i32
    %dma_wait3A_504 = tpu.memref_slice %arg8[%dma_wait3A_497, %dma_wait3A_503] : memref<20x128xi32, #tpu.memory_space<vmem>> -> memref<1x128xi32, #tpu.memory_space<vmem>>
    %dma_wait3A_505 = tpu.memref_squeeze %dma_wait3A_504 : memref<1x128xi32, #tpu.memory_space<vmem>> -> memref<128xi32, #tpu.memory_space<vmem>>
    %dma_wait3A_506 = arith.constant 0 : i32
    %dma_wait3A_507 = arith.constant 0 : i32
    %dma_wait3A_508 = tpu.memref_slice %arg5[%dma_wait3A_506, %dma_wait3A_507] : memref<1000000x16xf32, #tpu.memory_space<hbm>> -> memref<1000000x16xf32, #tpu.memory_space<hbm>>
    tpu.wait_indirect_dma semaphore(%arg12 : memref<!tpu.dma_semaphore, #tpu.memory_space<semaphore_mem>>) src(%dma_wait3A_508 : memref<1000000x16xf32, #tpu.memory_space<hbm>>) dst(%dma_wait3A_502 : memref<128x16xf32, #tpu.memory_space<vmem>>)
    %dma_wait3A_509 = arith.constant 14 : i32
    %dma_wait3A_510 = arith.constant 14 : i32
    %dma_wait3A_511 = arith.constant 0 : i32
    %dma_wait3A_512 = arith.constant 0 : i32
    %dma_wait3A_513 = tpu.memref_slice %arg10[%dma_wait3A_510, %dma_wait3A_511, %dma_wait3A_512] : memref<20x128x16xf32, #tpu.memory_space<vmem>> -> memref<1x128x16xf32, #tpu.memory_space<vmem>>
    %dma_wait3A_514 = tpu.memref_squeeze %dma_wait3A_513 : memref<1x128x16xf32, #tpu.memory_space<vmem>> -> memref<128x16xf32, #tpu.memory_space<vmem>>
    %dma_wait3A_515 = arith.constant 0 : i32
    %dma_wait3A_516 = tpu.memref_slice %arg8[%dma_wait3A_509, %dma_wait3A_515] : memref<20x128xi32, #tpu.memory_space<vmem>> -> memref<1x128xi32, #tpu.memory_space<vmem>>
    %dma_wait3A_517 = tpu.memref_squeeze %dma_wait3A_516 : memref<1x128xi32, #tpu.memory_space<vmem>> -> memref<128xi32, #tpu.memory_space<vmem>>
    %dma_wait3A_518 = arith.constant 0 : i32
    %dma_wait3A_519 = arith.constant 0 : i32
    %dma_wait3A_520 = tpu.memref_slice %arg5[%dma_wait3A_518, %dma_wait3A_519] : memref<1000000x16xf32, #tpu.memory_space<hbm>> -> memref<1000000x16xf32, #tpu.memory_space<hbm>>
    tpu.wait_indirect_dma semaphore(%arg12 : memref<!tpu.dma_semaphore, #tpu.memory_space<semaphore_mem>>) src(%dma_wait3A_520 : memref<1000000x16xf32, #tpu.memory_space<hbm>>) dst(%dma_wait3A_514 : memref<128x16xf32, #tpu.memory_space<vmem>>)
    %dma_wait3A_521 = arith.constant 15 : i32
    %dma_wait3A_522 = arith.constant 15 : i32
    %dma_wait3A_523 = arith.constant 0 : i32
    %dma_wait3A_524 = arith.constant 0 : i32
    %dma_wait3A_525 = tpu.memref_slice %arg10[%dma_wait3A_522, %dma_wait3A_523, %dma_wait3A_524] : memref<20x128x16xf32, #tpu.memory_space<vmem>> -> memref<1x128x16xf32, #tpu.memory_space<vmem>>
    %dma_wait3A_526 = tpu.memref_squeeze %dma_wait3A_525 : memref<1x128x16xf32, #tpu.memory_space<vmem>> -> memref<128x16xf32, #tpu.memory_space<vmem>>
    %dma_wait3A_527 = arith.constant 0 : i32
    %dma_wait3A_528 = tpu.memref_slice %arg8[%dma_wait3A_521, %dma_wait3A_527] : memref<20x128xi32, #tpu.memory_space<vmem>> -> memref<1x128xi32, #tpu.memory_space<vmem>>
    %dma_wait3A_529 = tpu.memref_squeeze %dma_wait3A_528 : memref<1x128xi32, #tpu.memory_space<vmem>> -> memref<128xi32, #tpu.memory_space<vmem>>
    %dma_wait3A_530 = arith.constant 0 : i32
    %dma_wait3A_531 = arith.constant 0 : i32
    %dma_wait3A_532 = tpu.memref_slice %arg5[%dma_wait3A_530, %dma_wait3A_531] : memref<1000000x16xf32, #tpu.memory_space<hbm>> -> memref<1000000x16xf32, #tpu.memory_space<hbm>>
    tpu.wait_indirect_dma semaphore(%arg12 : memref<!tpu.dma_semaphore, #tpu.memory_space<semaphore_mem>>) src(%dma_wait3A_532 : memref<1000000x16xf32, #tpu.memory_space<hbm>>) dst(%dma_wait3A_526 : memref<128x16xf32, #tpu.memory_space<vmem>>)
    %dma_wait3A_533 = arith.constant 16 : i32
    %dma_wait3A_534 = arith.constant 16 : i32
    %dma_wait3A_535 = arith.constant 0 : i32
    %dma_wait3A_536 = arith.constant 0 : i32
    %dma_wait3A_537 = tpu.memref_slice %arg10[%dma_wait3A_534, %dma_wait3A_535, %dma_wait3A_536] : memref<20x128x16xf32, #tpu.memory_space<vmem>> -> memref<1x128x16xf32, #tpu.memory_space<vmem>>
    %dma_wait3A_538 = tpu.memref_squeeze %dma_wait3A_537 : memref<1x128x16xf32, #tpu.memory_space<vmem>> -> memref<128x16xf32, #tpu.memory_space<vmem>>
    %dma_wait3A_539 = arith.constant 0 : i32
    %dma_wait3A_540 = tpu.memref_slice %arg8[%dma_wait3A_533, %dma_wait3A_539] : memref<20x128xi32, #tpu.memory_space<vmem>> -> memref<1x128xi32, #tpu.memory_space<vmem>>
    %dma_wait3A_541 = tpu.memref_squeeze %dma_wait3A_540 : memref<1x128xi32, #tpu.memory_space<vmem>> -> memref<128xi32, #tpu.memory_space<vmem>>
    %dma_wait3A_542 = arith.constant 0 : i32
    %dma_wait3A_543 = arith.constant 0 : i32
    %dma_wait3A_544 = tpu.memref_slice %arg5[%dma_wait3A_542, %dma_wait3A_543] : memref<1000000x16xf32, #tpu.memory_space<hbm>> -> memref<1000000x16xf32, #tpu.memory_space<hbm>>
    tpu.wait_indirect_dma semaphore(%arg12 : memref<!tpu.dma_semaphore, #tpu.memory_space<semaphore_mem>>) src(%dma_wait3A_544 : memref<1000000x16xf32, #tpu.memory_space<hbm>>) dst(%dma_wait3A_538 : memref<128x16xf32, #tpu.memory_space<vmem>>)
    %dma_wait3A_545 = arith.constant 17 : i32
    %dma_wait3A_546 = arith.constant 17 : i32
    %dma_wait3A_547 = arith.constant 0 : i32
    %dma_wait3A_548 = arith.constant 0 : i32
    %dma_wait3A_549 = tpu.memref_slice %arg10[%dma_wait3A_546, %dma_wait3A_547, %dma_wait3A_548] : memref<20x128x16xf32, #tpu.memory_space<vmem>> -> memref<1x128x16xf32, #tpu.memory_space<vmem>>
    %dma_wait3A_550 = tpu.memref_squeeze %dma_wait3A_549 : memref<1x128x16xf32, #tpu.memory_space<vmem>> -> memref<128x16xf32, #tpu.memory_space<vmem>>
    %dma_wait3A_551 = arith.constant 0 : i32
    %dma_wait3A_552 = tpu.memref_slice %arg8[%dma_wait3A_545, %dma_wait3A_551] : memref<20x128xi32, #tpu.memory_space<vmem>> -> memref<1x128xi32, #tpu.memory_space<vmem>>
    %dma_wait3A_553 = tpu.memref_squeeze %dma_wait3A_552 : memref<1x128xi32, #tpu.memory_space<vmem>> -> memref<128xi32, #tpu.memory_space<vmem>>
    %dma_wait3A_554 = arith.constant 0 : i32
    %dma_wait3A_555 = arith.constant 0 : i32
    %dma_wait3A_556 = tpu.memref_slice %arg5[%dma_wait3A_554, %dma_wait3A_555] : memref<1000000x16xf32, #tpu.memory_space<hbm>> -> memref<1000000x16xf32, #tpu.memory_space<hbm>>
    tpu.wait_indirect_dma semaphore(%arg12 : memref<!tpu.dma_semaphore, #tpu.memory_space<semaphore_mem>>) src(%dma_wait3A_556 : memref<1000000x16xf32, #tpu.memory_space<hbm>>) dst(%dma_wait3A_550 : memref<128x16xf32, #tpu.memory_space<vmem>>)
    %dma_wait3A_557 = arith.constant 18 : i32
    %dma_wait3A_558 = arith.constant 18 : i32
    %dma_wait3A_559 = arith.constant 0 : i32
    %dma_wait3A_560 = arith.constant 0 : i32
    %dma_wait3A_561 = tpu.memref_slice %arg10[%dma_wait3A_558, %dma_wait3A_559, %dma_wait3A_560] : memref<20x128x16xf32, #tpu.memory_space<vmem>> -> memref<1x128x16xf32, #tpu.memory_space<vmem>>
    %dma_wait3A_562 = tpu.memref_squeeze %dma_wait3A_561 : memref<1x128x16xf32, #tpu.memory_space<vmem>> -> memref<128x16xf32, #tpu.memory_space<vmem>>
    %dma_wait3A_563 = arith.constant 0 : i32
    %dma_wait3A_564 = tpu.memref_slice %arg8[%dma_wait3A_557, %dma_wait3A_563] : memref<20x128xi32, #tpu.memory_space<vmem>> -> memref<1x128xi32, #tpu.memory_space<vmem>>
    %dma_wait3A_565 = tpu.memref_squeeze %dma_wait3A_564 : memref<1x128xi32, #tpu.memory_space<vmem>> -> memref<128xi32, #tpu.memory_space<vmem>>
    %dma_wait3A_566 = arith.constant 0 : i32
    %dma_wait3A_567 = arith.constant 0 : i32
    %dma_wait3A_568 = tpu.memref_slice %arg5[%dma_wait3A_566, %dma_wait3A_567] : memref<1000000x16xf32, #tpu.memory_space<hbm>> -> memref<1000000x16xf32, #tpu.memory_space<hbm>>
    tpu.wait_indirect_dma semaphore(%arg12 : memref<!tpu.dma_semaphore, #tpu.memory_space<semaphore_mem>>) src(%dma_wait3A_568 : memref<1000000x16xf32, #tpu.memory_space<hbm>>) dst(%dma_wait3A_562 : memref<128x16xf32, #tpu.memory_space<vmem>>)
    %dma_wait3A_569 = arith.constant 19 : i32
    %dma_wait3A_570 = arith.constant 19 : i32
    %dma_wait3A_571 = arith.constant 0 : i32
    %dma_wait3A_572 = arith.constant 0 : i32
    %dma_wait3A_573 = tpu.memref_slice %arg10[%dma_wait3A_570, %dma_wait3A_571, %dma_wait3A_572] : memref<20x128x16xf32, #tpu.memory_space<vmem>> -> memref<1x128x16xf32, #tpu.memory_space<vmem>>
    %dma_wait3A_574 = tpu.memref_squeeze %dma_wait3A_573 : memref<1x128x16xf32, #tpu.memory_space<vmem>> -> memref<128x16xf32, #tpu.memory_space<vmem>>
    %dma_wait3A_575 = arith.constant 0 : i32
    %dma_wait3A_576 = tpu.memref_slice %arg8[%dma_wait3A_569, %dma_wait3A_575] : memref<20x128xi32, #tpu.memory_space<vmem>> -> memref<1x128xi32, #tpu.memory_space<vmem>>
    %dma_wait3A_577 = tpu.memref_squeeze %dma_wait3A_576 : memref<1x128xi32, #tpu.memory_space<vmem>> -> memref<128xi32, #tpu.memory_space<vmem>>
    %dma_wait3A_578 = arith.constant 0 : i32
    %dma_wait3A_579 = arith.constant 0 : i32
    %dma_wait3A_580 = tpu.memref_slice %arg5[%dma_wait3A_578, %dma_wait3A_579] : memref<1000000x16xf32, #tpu.memory_space<hbm>> -> memref<1000000x16xf32, #tpu.memory_space<hbm>>
    tpu.wait_indirect_dma semaphore(%arg12 : memref<!tpu.dma_semaphore, #tpu.memory_space<semaphore_mem>>) src(%dma_wait3A_580 : memref<1000000x16xf32, #tpu.memory_space<hbm>>) dst(%dma_wait3A_574 : memref<128x16xf32, #tpu.memory_space<vmem>>)
    %iota3A = tpu.iota {dimensions = array<i32: 0>} : vector<16xi32>
    %broadcast_in_dim3A = arith.constant 0 : i32
    %broadcast_in_dim3A_581 = vector.broadcast %broadcast_in_dim3A : i32 to vector<16xi32>
    %add3A_582 = arith.constant 127 : i32
    %add3A_583 = vector.broadcast %add3A_582 : i32 to vector<16xi32>
    %add3A_584 = arith.addi %broadcast_in_dim3A_581, %add3A_583 : vector<16xi32>
    %scan3A = arith.constant 0 : i32
    %scan3A_585 = arith.constant 0 : i32
    %scan3A_586 = arith.constant 160 : i32
    %scan3A_587 = arith.addi %scan3A_585, %scan3A_586 : i32
    %scan3A_588 = arith.constant 1 : i32
    scf.for %scan3A_590 = %scan3A_585 to %scan3A_587 step %scan3A_588  : i32 {
      %mul3A_591 = arith.constant 16 : i32
      %mul3A_592 = arith.muli %scan3A_590, %mul3A_591 : i32
      %add3A_593 = vector.broadcast %mul3A_592 : i32 to vector<16xi32>
      %add3A_594 = arith.addi %add3A_593, %iota3A : vector<16xi32>
      %mul3A_595 = arith.constant 13108 : i32
      %mul3A_596 = vector.broadcast %mul3A_595 : i32 to vector<16xi32>
      %mul3A_597 = arith.muli %add3A_594, %mul3A_596 : vector<16xi32>
      %shift_right_logical3A = arith.constant 16 : i32
      %shift_right_logical3A_598 = vector.broadcast %shift_right_logical3A : i32 to vector<16xi32>
      %shift_right_logical3A_599 = arith.shrui %mul3A_597, %shift_right_logical3A_598 : vector<16xi32>
      %shift_right_logical3A_600 = arith.constant 7 : i32
      %shift_right_logical3A_601 = vector.broadcast %shift_right_logical3A_600 : i32 to vector<16xi32>
      %shift_right_logical3A_602 = arith.shrui %add3A_594, %shift_right_logical3A_601 : vector<16xi32>
      %and3A = arith.andi %add3A_594, %add3A_584 : vector<16xi32>
      %shift_right_logical3A_603 = arith.constant 7 : i32
      %shift_right_logical3A_604 = vector.broadcast %shift_right_logical3A_603 : i32 to vector<16xi32>
      %shift_right_logical3A_605 = arith.shrui %shift_right_logical3A_599, %shift_right_logical3A_604 : vector<16xi32>
      %and3A_606 = arith.andi %shift_right_logical3A_599, %add3A_584 : vector<16xi32>
      %broadcast_in_dim3A_607 = arith.constant 0.000000e+00 : f32
      %broadcast_in_dim3A_608 = vector.broadcast %broadcast_in_dim3A_607 : f32 to vector<16xf32>
      %broadcast_in_dim3A_609 = arith.constant 0 : i32
      %broadcast_in_dim3A_610 = vector.broadcast %broadcast_in_dim3A_609 : i32 to vector<16xi32>
      %add3A_611 = arith.constant 0 : i32
      %add3A_612 = vector.broadcast %add3A_611 : i32 to vector<16xi32>
      %add3A_613 = arith.addi %broadcast_in_dim3A_610, %add3A_612 : vector<16xi32>
      %gather3A = tpu.vector_load_idx %arg10[%shift_right_logical3A_602, %and3A, %add3A_613] : memref<20x128x16xf32, #tpu.memory_space<vmem>>[vector<16xi32>, vector<16xi32>, vector<16xi32>], vector<16xf32>,
      %gather3A_614 = tpu.vector_load_idx %arg9[%shift_right_logical3A_605, %and3A_606, %add3A_613] : memref<4x128x16xf32, #tpu.memory_space<vmem>>[vector<16xi32>, vector<16xi32>, vector<16xi32>], vector<16xf32>,
      %mul3A_615 = arith.mulf %gather3A, %gather3A_614 : vector<16xf32>
      %add3A_616 = arith.addf %broadcast_in_dim3A_608, %mul3A_615 : vector<16xf32>
      %broadcast_in_dim3A_617 = arith.constant 0 : i32
      %broadcast_in_dim3A_618 = vector.broadcast %broadcast_in_dim3A_617 : i32 to vector<16xi32>
      %add3A_619 = arith.constant 1 : i32
      %add3A_620 = vector.broadcast %add3A_619 : i32 to vector<16xi32>
      %add3A_621 = arith.addi %broadcast_in_dim3A_618, %add3A_620 : vector<16xi32>
      %gather3A_622 = tpu.vector_load_idx %arg10[%shift_right_logical3A_602, %and3A, %add3A_621] : memref<20x128x16xf32, #tpu.memory_space<vmem>>[vector<16xi32>, vector<16xi32>, vector<16xi32>], vector<16xf32>,
      %gather3A_623 = tpu.vector_load_idx %arg9[%shift_right_logical3A_605, %and3A_606, %add3A_621] : memref<4x128x16xf32, #tpu.memory_space<vmem>>[vector<16xi32>, vector<16xi32>, vector<16xi32>], vector<16xf32>,
      %mul3A_624 = arith.mulf %gather3A_622, %gather3A_623 : vector<16xf32>
      %add3A_625 = arith.addf %add3A_616, %mul3A_624 : vector<16xf32>
      %broadcast_in_dim3A_626 = arith.constant 0 : i32
      %broadcast_in_dim3A_627 = vector.broadcast %broadcast_in_dim3A_626 : i32 to vector<16xi32>
      %add3A_628 = arith.constant 2 : i32
      %add3A_629 = vector.broadcast %add3A_628 : i32 to vector<16xi32>
      %add3A_630 = arith.addi %broadcast_in_dim3A_627, %add3A_629 : vector<16xi32>
      %gather3A_631 = tpu.vector_load_idx %arg10[%shift_right_logical3A_602, %and3A, %add3A_630] : memref<20x128x16xf32, #tpu.memory_space<vmem>>[vector<16xi32>, vector<16xi32>, vector<16xi32>], vector<16xf32>,
      %gather3A_632 = tpu.vector_load_idx %arg9[%shift_right_logical3A_605, %and3A_606, %add3A_630] : memref<4x128x16xf32, #tpu.memory_space<vmem>>[vector<16xi32>, vector<16xi32>, vector<16xi32>], vector<16xf32>,
      %mul3A_633 = arith.mulf %gather3A_631, %gather3A_632 : vector<16xf32>
      %add3A_634 = arith.addf %add3A_625, %mul3A_633 : vector<16xf32>
      %broadcast_in_dim3A_635 = arith.constant 0 : i32
      %broadcast_in_dim3A_636 = vector.broadcast %broadcast_in_dim3A_635 : i32 to vector<16xi32>
      %add3A_637 = arith.constant 3 : i32
      %add3A_638 = vector.broadcast %add3A_637 : i32 to vector<16xi32>
      %add3A_639 = arith.addi %broadcast_in_dim3A_636, %add3A_638 : vector<16xi32>
      %gather3A_640 = tpu.vector_load_idx %arg10[%shift_right_logical3A_602, %and3A, %add3A_639] : memref<20x128x16xf32, #tpu.memory_space<vmem>>[vector<16xi32>, vector<16xi32>, vector<16xi32>], vector<16xf32>,
      %gather3A_641 = tpu.vector_load_idx %arg9[%shift_right_logical3A_605, %and3A_606, %add3A_639] : memref<4x128x16xf32, #tpu.memory_space<vmem>>[vector<16xi32>, vector<16xi32>, vector<16xi32>], vector<16xf32>,
      %mul3A_642 = arith.mulf %gather3A_640, %gather3A_641 : vector<16xf32>
      %add3A_643 = arith.addf %add3A_634, %mul3A_642 : vector<16xf32>
      %broadcast_in_dim3A_644 = arith.constant 0 : i32
      %broadcast_in_dim3A_645 = vector.broadcast %broadcast_in_dim3A_644 : i32 to vector<16xi32>
      %add3A_646 = arith.constant 4 : i32
      %add3A_647 = vector.broadcast %add3A_646 : i32 to vector<16xi32>
      %add3A_648 = arith.addi %broadcast_in_dim3A_645, %add3A_647 : vector<16xi32>
      %gather3A_649 = tpu.vector_load_idx %arg10[%shift_right_logical3A_602, %and3A, %add3A_648] : memref<20x128x16xf32, #tpu.memory_space<vmem>>[vector<16xi32>, vector<16xi32>, vector<16xi32>], vector<16xf32>,
      %gather3A_650 = tpu.vector_load_idx %arg9[%shift_right_logical3A_605, %and3A_606, %add3A_648] : memref<4x128x16xf32, #tpu.memory_space<vmem>>[vector<16xi32>, vector<16xi32>, vector<16xi32>], vector<16xf32>,
      %mul3A_651 = arith.mulf %gather3A_649, %gather3A_650 : vector<16xf32>
      %add3A_652 = arith.addf %add3A_643, %mul3A_651 : vector<16xf32>
      %broadcast_in_dim3A_653 = arith.constant 0 : i32
      %broadcast_in_dim3A_654 = vector.broadcast %broadcast_in_dim3A_653 : i32 to vector<16xi32>
      %add3A_655 = arith.constant 5 : i32
      %add3A_656 = vector.broadcast %add3A_655 : i32 to vector<16xi32>
      %add3A_657 = arith.addi %broadcast_in_dim3A_654, %add3A_656 : vector<16xi32>
      %gather3A_658 = tpu.vector_load_idx %arg10[%shift_right_logical3A_602, %and3A, %add3A_657] : memref<20x128x16xf32, #tpu.memory_space<vmem>>[vector<16xi32>, vector<16xi32>, vector<16xi32>], vector<16xf32>,
      %gather3A_659 = tpu.vector_load_idx %arg9[%shift_right_logical3A_605, %and3A_606, %add3A_657] : memref<4x128x16xf32, #tpu.memory_space<vmem>>[vector<16xi32>, vector<16xi32>, vector<16xi32>], vector<16xf32>,
      %mul3A_660 = arith.mulf %gather3A_658, %gather3A_659 : vector<16xf32>
      %add3A_661 = arith.addf %add3A_652, %mul3A_660 : vector<16xf32>
      %broadcast_in_dim3A_662 = arith.constant 0 : i32
      %broadcast_in_dim3A_663 = vector.broadcast %broadcast_in_dim3A_662 : i32 to vector<16xi32>
      %add3A_664 = arith.constant 6 : i32
      %add3A_665 = vector.broadcast %add3A_664 : i32 to vector<16xi32>
      %add3A_666 = arith.addi %broadcast_in_dim3A_663, %add3A_665 : vector<16xi32>
      %gather3A_667 = tpu.vector_load_idx %arg10[%shift_right_logical3A_602, %and3A, %add3A_666] : memref<20x128x16xf32, #tpu.memory_space<vmem>>[vector<16xi32>, vector<16xi32>, vector<16xi32>], vector<16xf32>,
      %gather3A_668 = tpu.vector_load_idx %arg9[%shift_right_logical3A_605, %and3A_606, %add3A_666] : memref<4x128x16xf32, #tpu.memory_space<vmem>>[vector<16xi32>, vector<16xi32>, vector<16xi32>], vector<16xf32>,
      %mul3A_669 = arith.mulf %gather3A_667, %gather3A_668 : vector<16xf32>
      %add3A_670 = arith.addf %add3A_661, %mul3A_669 : vector<16xf32>
      %broadcast_in_dim3A_671 = arith.constant 0 : i32
      %broadcast_in_dim3A_672 = vector.broadcast %broadcast_in_dim3A_671 : i32 to vector<16xi32>
      %add3A_673 = arith.constant 7 : i32
      %add3A_674 = vector.broadcast %add3A_673 : i32 to vector<16xi32>
      %add3A_675 = arith.addi %broadcast_in_dim3A_672, %add3A_674 : vector<16xi32>
      %gather3A_676 = tpu.vector_load_idx %arg10[%shift_right_logical3A_602, %and3A, %add3A_675] : memref<20x128x16xf32, #tpu.memory_space<vmem>>[vector<16xi32>, vector<16xi32>, vector<16xi32>], vector<16xf32>,
      %gather3A_677 = tpu.vector_load_idx %arg9[%shift_right_logical3A_605, %and3A_606, %add3A_675] : memref<4x128x16xf32, #tpu.memory_space<vmem>>[vector<16xi32>, vector<16xi32>, vector<16xi32>], vector<16xf32>,
      %mul3A_678 = arith.mulf %gather3A_676, %gather3A_677 : vector<16xf32>
      %add3A_679 = arith.addf %add3A_670, %mul3A_678 : vector<16xf32>
      %broadcast_in_dim3A_680 = arith.constant 0 : i32
      %broadcast_in_dim3A_681 = vector.broadcast %broadcast_in_dim3A_680 : i32 to vector<16xi32>
      %add3A_682 = arith.constant 8 : i32
      %add3A_683 = vector.broadcast %add3A_682 : i32 to vector<16xi32>
      %add3A_684 = arith.addi %broadcast_in_dim3A_681, %add3A_683 : vector<16xi32>
      %gather3A_685 = tpu.vector_load_idx %arg10[%shift_right_logical3A_602, %and3A, %add3A_684] : memref<20x128x16xf32, #tpu.memory_space<vmem>>[vector<16xi32>, vector<16xi32>, vector<16xi32>], vector<16xf32>,
      %gather3A_686 = tpu.vector_load_idx %arg9[%shift_right_logical3A_605, %and3A_606, %add3A_684] : memref<4x128x16xf32, #tpu.memory_space<vmem>>[vector<16xi32>, vector<16xi32>, vector<16xi32>], vector<16xf32>,
      %mul3A_687 = arith.mulf %gather3A_685, %gather3A_686 : vector<16xf32>
      %add3A_688 = arith.addf %add3A_679, %mul3A_687 : vector<16xf32>
      %broadcast_in_dim3A_689 = arith.constant 0 : i32
      %broadcast_in_dim3A_690 = vector.broadcast %broadcast_in_dim3A_689 : i32 to vector<16xi32>
      %add3A_691 = arith.constant 9 : i32
      %add3A_692 = vector.broadcast %add3A_691 : i32 to vector<16xi32>
      %add3A_693 = arith.addi %broadcast_in_dim3A_690, %add3A_692 : vector<16xi32>
      %gather3A_694 = tpu.vector_load_idx %arg10[%shift_right_logical3A_602, %and3A, %add3A_693] : memref<20x128x16xf32, #tpu.memory_space<vmem>>[vector<16xi32>, vector<16xi32>, vector<16xi32>], vector<16xf32>,
      %gather3A_695 = tpu.vector_load_idx %arg9[%shift_right_logical3A_605, %and3A_606, %add3A_693] : memref<4x128x16xf32, #tpu.memory_space<vmem>>[vector<16xi32>, vector<16xi32>, vector<16xi32>], vector<16xf32>,
      %mul3A_696 = arith.mulf %gather3A_694, %gather3A_695 : vector<16xf32>
      %add3A_697 = arith.addf %add3A_688, %mul3A_696 : vector<16xf32>
      %broadcast_in_dim3A_698 = arith.constant 0 : i32
      %broadcast_in_dim3A_699 = vector.broadcast %broadcast_in_dim3A_698 : i32 to vector<16xi32>
      %add3A_700 = arith.constant 10 : i32
      %add3A_701 = vector.broadcast %add3A_700 : i32 to vector<16xi32>
      %add3A_702 = arith.addi %broadcast_in_dim3A_699, %add3A_701 : vector<16xi32>
      %gather3A_703 = tpu.vector_load_idx %arg10[%shift_right_logical3A_602, %and3A, %add3A_702] : memref<20x128x16xf32, #tpu.memory_space<vmem>>[vector<16xi32>, vector<16xi32>, vector<16xi32>], vector<16xf32>,
      %gather3A_704 = tpu.vector_load_idx %arg9[%shift_right_logical3A_605, %and3A_606, %add3A_702] : memref<4x128x16xf32, #tpu.memory_space<vmem>>[vector<16xi32>, vector<16xi32>, vector<16xi32>], vector<16xf32>,
      %mul3A_705 = arith.mulf %gather3A_703, %gather3A_704 : vector<16xf32>
      %add3A_706 = arith.addf %add3A_697, %mul3A_705 : vector<16xf32>
      %broadcast_in_dim3A_707 = arith.constant 0 : i32
      %broadcast_in_dim3A_708 = vector.broadcast %broadcast_in_dim3A_707 : i32 to vector<16xi32>
      %add3A_709 = arith.constant 11 : i32
      %add3A_710 = vector.broadcast %add3A_709 : i32 to vector<16xi32>
      %add3A_711 = arith.addi %broadcast_in_dim3A_708, %add3A_710 : vector<16xi32>
      %gather3A_712 = tpu.vector_load_idx %arg10[%shift_right_logical3A_602, %and3A, %add3A_711] : memref<20x128x16xf32, #tpu.memory_space<vmem>>[vector<16xi32>, vector<16xi32>, vector<16xi32>], vector<16xf32>,
      %gather3A_713 = tpu.vector_load_idx %arg9[%shift_right_logical3A_605, %and3A_606, %add3A_711] : memref<4x128x16xf32, #tpu.memory_space<vmem>>[vector<16xi32>, vector<16xi32>, vector<16xi32>], vector<16xf32>,
      %mul3A_714 = arith.mulf %gather3A_712, %gather3A_713 : vector<16xf32>
      %add3A_715 = arith.addf %add3A_706, %mul3A_714 : vector<16xf32>
      %broadcast_in_dim3A_716 = arith.constant 0 : i32
      %broadcast_in_dim3A_717 = vector.broadcast %broadcast_in_dim3A_716 : i32 to vector<16xi32>
      %add3A_718 = arith.constant 12 : i32
      %add3A_719 = vector.broadcast %add3A_718 : i32 to vector<16xi32>
      %add3A_720 = arith.addi %broadcast_in_dim3A_717, %add3A_719 : vector<16xi32>
      %gather3A_721 = tpu.vector_load_idx %arg10[%shift_right_logical3A_602, %and3A, %add3A_720] : memref<20x128x16xf32, #tpu.memory_space<vmem>>[vector<16xi32>, vector<16xi32>, vector<16xi32>], vector<16xf32>,
      %gather3A_722 = tpu.vector_load_idx %arg9[%shift_right_logical3A_605, %and3A_606, %add3A_720] : memref<4x128x16xf32, #tpu.memory_space<vmem>>[vector<16xi32>, vector<16xi32>, vector<16xi32>], vector<16xf32>,
      %mul3A_723 = arith.mulf %gather3A_721, %gather3A_722 : vector<16xf32>
      %add3A_724 = arith.addf %add3A_715, %mul3A_723 : vector<16xf32>
      %broadcast_in_dim3A_725 = arith.constant 0 : i32
      %broadcast_in_dim3A_726 = vector.broadcast %broadcast_in_dim3A_725 : i32 to vector<16xi32>
      %add3A_727 = arith.constant 13 : i32
      %add3A_728 = vector.broadcast %add3A_727 : i32 to vector<16xi32>
      %add3A_729 = arith.addi %broadcast_in_dim3A_726, %add3A_728 : vector<16xi32>
      %gather3A_730 = tpu.vector_load_idx %arg10[%shift_right_logical3A_602, %and3A, %add3A_729] : memref<20x128x16xf32, #tpu.memory_space<vmem>>[vector<16xi32>, vector<16xi32>, vector<16xi32>], vector<16xf32>,
      %gather3A_731 = tpu.vector_load_idx %arg9[%shift_right_logical3A_605, %and3A_606, %add3A_729] : memref<4x128x16xf32, #tpu.memory_space<vmem>>[vector<16xi32>, vector<16xi32>, vector<16xi32>], vector<16xf32>,
      %mul3A_732 = arith.mulf %gather3A_730, %gather3A_731 : vector<16xf32>
      %add3A_733 = arith.addf %add3A_724, %mul3A_732 : vector<16xf32>
      %broadcast_in_dim3A_734 = arith.constant 0 : i32
      %broadcast_in_dim3A_735 = vector.broadcast %broadcast_in_dim3A_734 : i32 to vector<16xi32>
      %add3A_736 = arith.constant 14 : i32
      %add3A_737 = vector.broadcast %add3A_736 : i32 to vector<16xi32>
      %add3A_738 = arith.addi %broadcast_in_dim3A_735, %add3A_737 : vector<16xi32>
      %gather3A_739 = tpu.vector_load_idx %arg10[%shift_right_logical3A_602, %and3A, %add3A_738] : memref<20x128x16xf32, #tpu.memory_space<vmem>>[vector<16xi32>, vector<16xi32>, vector<16xi32>], vector<16xf32>,
      %gather3A_740 = tpu.vector_load_idx %arg9[%shift_right_logical3A_605, %and3A_606, %add3A_738] : memref<4x128x16xf32, #tpu.memory_space<vmem>>[vector<16xi32>, vector<16xi32>, vector<16xi32>], vector<16xf32>,
      %mul3A_741 = arith.mulf %gather3A_739, %gather3A_740 : vector<16xf32>
      %add3A_742 = arith.addf %add3A_733, %mul3A_741 : vector<16xf32>
      %broadcast_in_dim3A_743 = arith.constant 0 : i32
      %broadcast_in_dim3A_744 = vector.broadcast %broadcast_in_dim3A_743 : i32 to vector<16xi32>
      %add3A_745 = arith.constant 15 : i32
      %add3A_746 = vector.broadcast %add3A_745 : i32 to vector<16xi32>
      %add3A_747 = arith.addi %broadcast_in_dim3A_744, %add3A_746 : vector<16xi32>
      %gather3A_748 = tpu.vector_load_idx %arg10[%shift_right_logical3A_602, %and3A, %add3A_747] : memref<20x128x16xf32, #tpu.memory_space<vmem>>[vector<16xi32>, vector<16xi32>, vector<16xi32>], vector<16xf32>,
      %gather3A_749 = tpu.vector_load_idx %arg9[%shift_right_logical3A_605, %and3A_606, %add3A_747] : memref<4x128x16xf32, #tpu.memory_space<vmem>>[vector<16xi32>, vector<16xi32>, vector<16xi32>], vector<16xf32>,
      %mul3A_750 = arith.mulf %gather3A_748, %gather3A_749 : vector<16xf32>
      %add3A_751 = arith.addf %add3A_742, %mul3A_750 : vector<16xf32>
      %mul3A_752 = arith.constant 16 : i32
      %mul3A_753 = arith.muli %scan3A_590, %mul3A_752 : i32
      %swap3A = arith.index_cast %mul3A_753 : i32 to index
      %swap3A_754 = tpu.vector_load %arg11[%swap3A] {strides = array<i32>} : memref<2560xf32, #tpu.memory_space<vmem>>, vector<16xf32>,
      tpu.vector_store %arg11[%swap3A], %add3A_751 {strides = array<i32>} : memref<2560xf32, #tpu.memory_space<vmem>>, vector<16xf32>,
    }
    %scan3A_589 = arith.constant 160 : i32
    "tpu.region"() ({
      %run_scoped3A = tpu.sem_alloc : memref<!tpu.dma_semaphore, #tpu.memory_space<semaphore_mem>>
      %dma_start3A_590 = tpu.memref_slice %arg6[%mul3A_2] : memref<81920xf32, #tpu.memory_space<hbm>> -> memref<2560xf32, #tpu.memory_space<hbm>>
      %dma_start3A_591 = tpu.memref_slice %arg6[%mul3A_2] : memref<81920xf32, #tpu.memory_space<hbm>> -> memref<2560xf32, #tpu.memory_space<hbm>>
      tpu.enqueue_dma source(%arg11 : memref<2560xf32, #tpu.memory_space<vmem>>) target(%dma_start3A_591 : memref<2560xf32, #tpu.memory_space<hbm>>) target_semaphore(%run_scoped3A : memref<!tpu.dma_semaphore, #tpu.memory_space<semaphore_mem>>)
      %dma_wait3A_592 = tpu.memref_slice %arg6[%mul3A_2] : memref<81920xf32, #tpu.memory_space<hbm>> -> memref<2560xf32, #tpu.memory_space<hbm>>
      %dma_wait3A_593 = tpu.memref_slice %arg6[%mul3A_2] : memref<81920xf32, #tpu.memory_space<hbm>> -> memref<2560xf32, #tpu.memory_space<hbm>>
      tpu.wait_dma2 semaphore(%run_scoped3A : memref<!tpu.dma_semaphore, #tpu.memory_space<semaphore_mem>>) src(%arg11 : memref<2560xf32, #tpu.memory_space<vmem>>) dst(%dma_wait3A_593 : memref<2560xf32, #tpu.memory_space<hbm>>)
      tpu.yield
    }) : () -> ()
    return
  }
}

</mosaic_0001>

<sc_bundles>
// kernel: kernel.3.cloned.1.call-start
scs
__scs_entry_jumppad:
0x0: {  	(pc) =	sbr.rel $0x88, $3  }
0x1: {  	(tag) =	ssettag $0x0;
	lr =	simm.s32 $0x1  }
0x2: {  	[smem:$0x3F9D] =	sst lr;
	_ =	strace $0xD0000000  }
0x3: {  	_ = 	snop  }
0x4: {  	_ = 	snop  }
0x5: {  	_ = 	snop  }
0x6: {  	_ = 	snop  }
0x7: {  	_ = 	snop  }
__scs_overlays_trampoline_lowered:
0x8: {  	[smem:$0x3FAC] =	sst s0  }
0x9: {  	[smem:$0x3FAD] =	sst s1  }
0xa: {  	[smem:$0x3FAE] =	sst s2  }
0xb: {  	[smem:$0x3FAF] =	sst s3  }
0xc: {  	[smem:$0x3FB0] =	sst s4  }
0xd: {  	[smem:$0x3FB1] =	sst s5  }
0xe: {  	[smem:$0x3FB2] =	sst s6  }
0xf: {  	[smem:$0x3FB3] =	sst s7  }
0x10: {  	[smem:$0x3FB4] =	sst s8  }
0x11: {  	[smem:$0x3FB5] =	sst s9;
	s0 =	simm.s32 @!p0 $0x0  }
0x12: {  	s1 =	sld [smem:$0x3F9B];
	s0 =	simm.s32 @p0 $0x1  }
0x13: {  	[smem:$0x3FB6] =	sst s0;
	s0 =	simm.s32 @!p1 $0x0  }
0x14: {  	s2 =	sld [smem:$0x3F9A];
	s0 =	simm.s32 @p1 $0x1  }
0x15: {  	[smem:$0x3FB7] =	sst s0;
	s0 =	simm.s32 @!p2 $0x0  }
0x16: {  	s3 =	sld [smem:$0x3FDB];
	s0 =	simm.s32 @p2 $0x1  }
0x17: {  	s4 =	simm.s32 $0x1BF5;
	[smem:$0x3FB9] =	sst s0  }
0x18: {  	s0 =	sld [smem:$0x3F9C];
	_ =	swait.ge [sflag:s4], $0x0  }
0x19: {  	s7 =	sld [smem:$0x3F9D]  }
0x1a: {  	s8 =	sadd.s32 $0xFFFFE003, lr  }
0x1b: {  	s9 =	sadd.s32 $0xFFFFFEF7, lr;
	s5 =	simm.s32 $0xFFFFFFFF;
	p2 =	slt.u32 s8, $0xFFFFF086  }
0x1c: {  	p1 =	slt.u32 s9, $0xF7A;
	s5 =	simm.s32 @!p2 $0x0  }
0x1d: {  	s5 =	simm.s32 @p1 $0x1;
	p0 =	seq.s32 s7, s2  }
0x1e: {  	s7 =	smul.u32 @!p0 $0xF7A, s2;
	p2 =	seq.s32 @!p0 s5, $0x0  }
0x1f: {  	s9 =	smul.u32 $0xF7A, s1;
	s8 =	simm.s32 @!p0 $0x1BF5;
	p2 =	por !p2, p0  }
0x20: {  	[sflag:s8] =	ssyncset.s32 @!p0 $0xFFFFF086;
	s6 =	sadd.s32 @!p0 s3, s7;
	s7 =	simm.s32 @!p0 $0x108  }
0x21: {  	s3 =	sadd.s32 s3, s9;
	s6 =	sadd.s32 @!p0 $0x88, s6;
	s7 =	simm.s32 @p2 $0x1082  }
0x22: {  	[simem:s7], [sflag:s8] =	dma.local @!p0 [hbm:s6], $0xF7A  }
0x23: {  	s9 =	sor.u32 $0xD0000000, s2;
	s6 =	simm.s32 $0x108;
	_ =	swait.ge @!p0 [sflag:s8], $0x0  }
0x24: {  	s3 =	sadd.s32 $0x88, s3;
	s6 =	simm.s32 @!p1 $0x1082;
	[sflag:s4] =	ssyncset.s32 $0xFFFFF086  }
0x25: {  	[simem:s6], [sflag:s4] =	dma.local [hbm:s3], $0xF7A  }
0x26: {  	[smem:$0x3F9D] =	sst s1;
	(tag) =	ssettag s2;
	_ =	strace s9  }
0x27: {  	s1 =	sld [smem:$0x3FAD]  }
0x28: {  	s2 =	sld [smem:$0x3FAE]  }
0x29: {  	s4 =	sld [smem:$0x3FB0]  }
0x2a: {  	p0 =	seq.s32 s5, $0x0;
	s5 =	sld [smem:$0x3FB1]  }
0x2b: {  	s6 =	sld [smem:$0x3FB2]  }
0x2c: {  	s7 =	sld [smem:$0x3FB3]  }
0x2d: {  	s3 =	simm.s32 $0x108;
	s8 =	sld [smem:$0x3FB4]  }
0x2e: {  	s3 =	simm.s32 @!p0 $0x1082;
	s9 =	sld [smem:$0x3FB5]  }
0x2f: {  	lr =	sadd.s32 s0, s3;
	s0 =	sld [smem:$0x3FAC]  }
0x30: {  	s3 =	sld [smem:$0x3FAF]  }
0x31: {  	[smem:$0x3FB8] =	sst s10  }
0x32: {  	s10 =	sld [smem:$0x3FB6];
	_ =	sdelay $0x3  }
0x33: {  	p0 =	seq.s32 s10, $0x1;
	s10 =	sld [smem:$0x3FB8];
	_ =	sdelay $0x3  }
0x34: {  	[smem:$0x3FB8] =	sst s10  }
0x35: {  	s10 =	sld [smem:$0x3FB7];
	_ =	sdelay $0x3  }
0x36: {  	p1 =	seq.s32 s10, $0x1;
	s10 =	sld [smem:$0x3FB8];
	_ =	sdelay $0x3  }
0x37: {  	[smem:$0x3FB8] =	sst s10  }
0x38: {  	s10 =	sld [smem:$0x3FB9]  }
0x39: {  	_ = 	snop;
	(pc) =	sbr.ind lr, $3  }
0x3a: {  	_ = 	snop  }
0x3b: {  	_ = 	snop  }
0x3c: {  	p2 =	seq.s32 s10, $0x1;
	s10 =	sld [smem:$0x3FB8]  }
0x3d: {  	_ =	shalt  }
0x3e: {  	_ =	shalt  }
0x3f: {  	_ =	shalt  }
0x40: {  	_ =	shalt  }
0x41: {  	_ =	shalt  }
0x42: {  	_ =	shalt  }
0x43: {  	_ =	shalt  }
0x44: {  	_ =	shalt  }
0x45: {  	_ =	shalt  }
0x46: {  	_ =	shalt  }
0x47: {  	_ =	shalt  }
0x48: {  	_ =	shalt  }
0x49: {  	_ =	shalt  }
0x4a: {  	_ =	shalt  }
0x4b: {  	_ =	shalt  }
0x4c: {  	_ =	shalt  }
0x4d: {  	_ =	shalt  }
0x4e: {  	_ =	shalt  }
0x4f: {  	_ =	shalt  }
0x50: {  	_ =	shalt  }
0x51: {  	_ =	shalt  }
0x52: {  	_ =	shalt  }
0x53: {  	_ =	shalt  }
0x54: {  	_ =	shalt  }
0x55: {  	_ =	shalt  }
0x56: {  	_ =	shalt  }
0x57: {  	_ =	shalt  }
0x58: {  	_ =	shalt  }
0x59: {  	_ =	shalt  }
0x5a: {  	_ =	shalt  }
0x5b: {  	_ =	shalt  }
0x5c: {  	_ =	shalt  }
0x5d: {  	_ =	shalt  }
0x5e: {  	_ =	shalt  }
0x5f: {  	_ =	shalt  }
0x60: {  	_ =	shalt  }
0x61: {  	_ =	shalt  }
0x62: {  	_ =	shalt  }
0x63: {  	_ =	shalt  }
0x64: {  	_ =	shalt  }
0x65: {  	_ =	shalt  }
0x66: {  	_ =	shalt  }
0x67: {  	_ =	shalt  }
0x68: {  	_ =	shalt  }
0x69: {  	_ =	shalt  }
0x6a: {  	_ =	shalt  }
0x6b: {  	_ =	shalt  }
0x6c: {  	_ =	shalt  }
0x6d: {  	_ =	shalt  }
0x6e: {  	_ =	shalt  }
0x6f: {  	_ =	shalt  }
0x70: {  	_ =	shalt  }
0x71: {  	_ =	shalt  }
0x72: {  	_ =	shalt  }
0x73: {  	_ =	shalt  }
0x74: {  	_ =	shalt  }
0x75: {  	_ =	shalt  }
0x76: {  	_ =	shalt  }
0x77: {  	_ =	shalt  }
0x78: {  	_ =	shalt  }
0x79: {  	_ =	shalt  }
0x7a: {  	_ =	shalt  }
0x7b: {  	_ =	shalt  }
0x7c: {  	_ =	shalt  }
0x7d: {  	_ =	shalt  }
0x7e: {  	_ =	shalt  }
0x7f: {  	_ =	shalt  }
0x80: {  	_ =	shalt  }
0x81: {  	_ =	shalt  }
0x82: {  	_ =	shalt  }
0x83: {  	_ =	shalt  }
0x84: {  	_ =	shalt  }
0x85: {  	_ =	shalt  }
0x86: {  	_ =	shalt  }
0x87: {  	_ =	shalt  }
.Lfunc_end0:
.L_simem_size_0:
called_computation_lowered:
.L_overlay_start_0:
0x88: {  	s2 =	sld [smem:$0x3FD9]  }
0x89: {  	s3 =	sld [smem:$0x3FFE];
	_ =	sdelay $0x1  }
0x8a: {  	s1 =	srdreg.scid  }
0x8b: {  	s0 =	sand.u32 $0x1, s1  }
0x8c: {  	s17 =	sshll.u32 s0, $0xA;
	s2 =	sadd.s32 s3, s2  }
0x8d: {  	s2 =	sadd.s32 s2, s17  }
0x8e: {  	[smem:$0x3FC4] =	sst s2  }
0x8f: {  	_ = 	snop  }
0x90: {  	s2 =	sld [smem:$0x3FC9]  }
0x91: {  	s18 =	sld [smem:$0x3FD0];
	(tm) =	ssettm $0x1  }
0x92: {  	s4 =	sld [smem:$0x3FFB];
	_ =	sdelay $0x3  }
0x93: {  	_ =	strace s4  }
0x94: {  	s4 =	sld [smem:$0x3FFC];
	_ =	sdelay $0x3  }
0x95: {  	_ =	strace s4  }
0x96: {  	s4 =	sld [smem:$0x3FFD];
	_ =	sdelay $0x3  }
0x97: {  	_ =	strace s4  }
0x98: {  	_ =	strace $0x8FFFFFFF  }
0x99: {  	s19 =	sld [smem:$0x3FDB];
	_ =	sdelay $0x1  }
0x9a: {  	s5 =	simm.s32 $_scs_section_size  }
0x9b: {  	s6 =	simm.s32 $_size__tile_overlayer_lowered;
	s7 =	simm.s32 $_tile_overlayer_lowered  }
0x9c: {  	s22 =	simm.s32 $0x1BFF;
	s21 =	sshll.u32 s7, $0x1;
	s4 =	sadd.s32 s5, s19  }
0x9d: {  	s8 =	simm.s32 $0x0;
	s20 =	sshll.u32 s6, $0x1;
	s6 =	sadd.s32 s21, s4  }
0x9e: {  	[timem:s8], [sflag:s22] =	dma.local [hbm:s6], s20  }
0x9f: {  	_ =	swait.ge [sflag:s22], s20  }
0xa0: {  	s5 =	ssub.s32 $0x0, s20;
	[sflag:s22] =	ssyncset.done $0x0  }
0xa1: {  	[sflag:s22] =	ssyncadd.s32 s5;
	_ =	sdelay $0x1  }
0xa2: {  	s23 =	simm.s32 $0x1B8B  }
0xa3: {  	_ =	swait.ge [sflag:s23], $0x1  }
0xa4: {  	[sflag:s23] =	ssyncset.done $0x0  }
0xa5: {  	s25 =	simm.s32 $0x1B8E;
	s24 =	sld [smem:$0x3FFE];
	[sflag:s23] =	ssyncadd.s32 $0xFFFFFFFF  }
0xa6: {  	s26 =	simm.s32 $execute0_lowered;
	[smem:$0x3FD2] =	sst s25  }
0xa7: {  	s6 =	sshll.u32 s26, $0x1;
	_ =	strace $0x80000046;
	[dreg:$0x1] =	wrdreg $0xFFFFFFFF  }
0xa8: {  	s28 =	simm.s32 $_size_execute0_lowered;
	s4 =	sadd.s32 s4, s6;
	[dreg:$0x0] =	wrdreg $0x0  }
0xa9: {  	s6 =	sshll.u32 s28, $0x1;
	[dreg:$0x2] =	wrdreg s4  }
0xaa: {  	[dreg:$0x3] =	wrdreg s6  }
0xab: {  	[dreg:$0x4] =	wrdreg $0xC0  }
0xac: {  	_ =	task [dreg:s8], $0x5FFFF  }
0xad: {  	[dreg:$0x1] =	wrdreg $0xFFFFFFFF  }
0xae: {  	[dreg:$0x0] =	wrdreg $0x60  }
0xaf: {  	[dreg:$0x2] =	wrdreg s2  }
0xb0: {  	[dreg:$0x3] =	wrdreg s18  }
0xb1: {  	[dreg:$0x4] =	wrdreg s24  }
0xb2: {  	[dreg:$0x5] =	wrdreg $0x9  }
0xb3: {  	_ =	task.clear_ibuf [dreg:s8], $0x6FFFF;
	_ =	strace $0x90000046  }
0xb4: {  	s29 =	simm.s32 $0x9;
	_ =	strace $0x80000048  }
0xb5: {  	_ =	swait.ge [sflag:s29], $0x1  }
0xb6: {  	[sflag:s29] =	ssyncadd.s32 $0xFFFFFFFF  }
0xb7: {  	_ =	strace $0x90000048  }
0xb8: {  	_ =	sfence  }
0xb9: {  	s30 =	sld [smem:$0x0];
	_ =	sdelay $0x2  }
0xba: {  	s31 =	sshll.u32 s1, $0xD;
	s1 =	sshrl.u32 s1, $0x2  }
0xbb: {  	s3 =	sand.u32 $0x4000, s31;
	s1 =	sadd.s32 s1, s30  }
0xbc: {  	s0 =	sor.u32 s3, s0;
	s1 =	sshll.u32 s1, $0x11  }
0xbd: {  	s0 =	sor.u32 s1, s0  }
0xbe: {  	s0 =	sadd.s32 $0x8F2B, s0  }
0xbf: {  	[sflag:s0] =	ssyncadd.remote.s32 $0x1  }
0xc0: {  	_ =	sfence.sel $0xFFFF  }
0xc1: {  	[dreg:$0x0] =	wrdreg $0xFFFFFFFF;
	(pc) =	sbr.abs _section_cstart, $3  }
0xc2: {  	[dreg:$0x1] =	wrdreg $0xFFFFFFFF  }
0xc3: {  	_ =	task.clear_ibuf [dreg:s8], $0x2FFFF;
	_ =	strace $0x9FFFFFFF  }
0xc4: {  	(tm) =	ssettm $0x7FFFFFFF  }
0xc5: {  	_ =	shalt  }
tec
execute0_lowered:
.L_overlay_start_1:
0x0: {  	(tag) =	ssettag $0x1  }
0x1: {  	s0 =	rddreg [dreg:$0x0]  }
0x2: {  	s1 =	rddreg [dreg:$0x1]  }
0x3: {  	s5 =	rddreg [dreg:$0x2]  }
0x4: {  	s2 =	simm.s32 $0x0;
	s3 =	srdreg.scid;
	s6 =	stileid.u32  }
0x5: {  	s11 =	simm.s32 $0x80;
	s12 =	simm.s32 $0xC00;
	s18 =	simm.s32 $0x2C00  }
0x6: {  	s24 =	simm.s32 $0x880;
	s25 =	simm.s32 $0x9400;
	s28 =	simm.s32 $0x9C00  }
0x7: {  	s29 =	simm.s32 $0x980;
	s30 =	simm.s32 $0xA400;
	s31 =	simm.s32 $0xA00  }
0x8: {  	s13 =	simm.s32 $0xB400;
	s14 =	simm.s32 $0xB00;
	s15 =	simm.s32 $0xBC00  }
0x9: {  	s16 =	simm.s32 $0xB80;
	s17 =	simm.s32 $0xC400;
	s19 =	simm.s32 $0x1  }
0xa: {  	s20 =	simm.s32 $0xCC00;
	s21 =	simm.s32 $0x0;
	[smem:$0x7FF] =	sst s2  }
0xb: {  	s4 =	sand.u32 $0x1, s3;
	s26 =	sshll.u32 s6, $0x1;
	s3 =	sadd.s32 $0x112B000, s5  }
0xc: {  	_ =	strace $0x80000047;
	s6 =	sor.u32 s4, s26;
	s8 =	ssub.s32 $0x2, s4  }
0xd: {  	s4 =	sadd.s32 $0xF42A00, s5;
	s7 =	smul.u32 $0x140, s6;
	s9 =	sshrl.u32 s8, $0x1  }
0xe: {  	s26 =	simm.s32 $0x900;
	s6 =	sshll.u32 s6, $0x6;
	s8 =	ssub.s32 s8, s9  }
0xf: {  	s9 =	simm.s32 $0x2;
	s10 =	sadd.s32 s7, s5;
	s5 =	sadd.s32 s0, s6  }
0x10: {  	s6 =	sadd.s32 s1, s7;
	s8 =	smax.u32 s8, $0x1;
	s0 =	simm.s32 $0xAC00  }
0x11: {  	v0 =	vlaneseq.u32;
	s1 =	simm.s32 $0xA80;
	s7 =	sadd.s32 $0x600, s10;
	s10 =	simm.s32 $0x200  }
.LBB2_1:
0x12: {  	[tilespmem:s2], [sflag:$0x2] =	stream.linear.gather [hbm4b:s5+s2], $0x200, $0x38;
	[tilespmem:$0xD600] =	vst v63  }
0x13: {  	_ =	swait.ge [sflag:s9], $0x200  }
0x14: {  	[sflag:s9] =	ssyncset.done $0x0  }
0x15: {  	[sflag:s9] =	ssyncadd.s32 $0xFFFFFE00  }
0x16: {  	[tilespmem:s10], [sflag:$0x2] =	stream.linear.gather [hbm4b:s6+s2], $0xA00, $0x38;
	[tilespmem:$0xD600] =	vst v63  }
0x17: {  	_ =	swait.ge [sflag:s9], $0xA00  }
0x18: {  	[sflag:s9] =	ssyncset.done $0x0  }
0x19: {  	[sflag:s9] =	ssyncadd.s32 $0xFFFFF600  }
0x1a: {  	[tilespmem:s12], [sflag:$0x1] =	stream.indirect.gather [hbm4b:s3+s11], $0x10, s2, s11, $0xb8;
	[tilespmem:$0xD600] =	vst v63  }
0x1b: {  	s22 =	simm.s32 $0x1400  }
0x1c: {  	[tilespmem:s22], [sflag:$0x1] =	stream.indirect.gather [hbm4b:s3+s11], $0x10, s11, s11, $0xb8;
	[tilespmem:$0xD600] =	vst v63  }
0x1d: {  	s23 =	simm.s32 $0x1C00;
	s22 =	simm.s32 $0x100  }
0x1e: {  	[tilespmem:s23], [sflag:$0x1] =	stream.indirect.gather [hbm4b:s3+s11], $0x10, s22, s11, $0xb8;
	[tilespmem:$0xD600] =	vst v63  }
0x1f: {  	s22 =	simm.s32 $0x180;
	s23 =	simm.s32 $0x2400  }
0x20: {  	[tilespmem:s23], [sflag:$0x1] =	stream.indirect.gather [hbm4b:s3+s11], $0x10, s22, s11, $0xb8;
	[tilespmem:$0xD600] =	vst v63  }
0x21: {  	_ = 	snop  }
0x22: {  	[tilespmem:s18], [sflag:$0x1] =	stream.indirect.gather [hbm4b:s4+s11], $0x10, s10, s11, $0xb8;
	[tilespmem:$0xD600] =	vst v63  }
0x23: {  	s22 =	simm.s32 $0x280;
	s23 =	simm.s32 $0x3400  }
0x24: {  	[tilespmem:s23], [sflag:$0x1] =	stream.indirect.gather [hbm4b:s4+s11], $0x10, s22, s11, $0xb8;
	[tilespmem:$0xD600] =	vst v63  }
0x25: {  	s22 =	simm.s32 $0x300;
	s23 =	simm.s32 $0x3C00  }
0x26: {  	[tilespmem:s23], [sflag:$0x1] =	stream.indirect.gather [hbm4b:s4+s11], $0x10, s22, s11, $0xb8;
	[tilespmem:$0xD600] =	vst v63  }
0x27: {  	s22 =	simm.s32 $0x380;
	s23 =	simm.s32 $0x4400  }
0x28: {  	[tilespmem:s23], [sflag:$0x1] =	stream.indirect.gather [hbm4b:s4+s11], $0x10, s22, s11, $0xb8;
	[tilespmem:$0xD600] =	vst v63  }
0x29: {  	s22 =	simm.s32 $0x400;
	s23 =	simm.s32 $0x4C00  }
0x2a: {  	[tilespmem:s23], [sflag:$0x1] =	stream.indirect.gather [hbm4b:s4+s11], $0x10, s22, s11, $0xb8;
	[tilespmem:$0xD600] =	vst v63  }
0x2b: {  	s22 =	simm.s32 $0x480;
	s23 =	simm.s32 $0x5400  }
0x2c: {  	[tilespmem:s23], [sflag:$0x1] =	stream.indirect.gather [hbm4b:s4+s11], $0x10, s22, s11, $0xb8;
	[tilespmem:$0xD600] =	vst v63  }
0x2d: {  	s22 =	simm.s32 $0x500;
	s23 =	simm.s32 $0x5C00  }
0x2e: {  	[tilespmem:s23], [sflag:$0x1] =	stream.indirect.gather [hbm4b:s4+s11], $0x10, s22, s11, $0xb8;
	[tilespmem:$0xD600] =	vst v63  }
0x2f: {  	s22 =	simm.s32 $0x580;
	s23 =	simm.s32 $0x6400  }
0x30: {  	[tilespmem:s23], [sflag:$0x1] =	stream.indirect.gather [hbm4b:s4+s11], $0x10, s22, s11, $0xb8;
	[tilespmem:$0xD600] =	vst v63  }
0x31: {  	s22 =	simm.s32 $0x600;
	s23 =	simm.s32 $0x6C00  }
0x32: {  	[tilespmem:s23], [sflag:$0x1] =	stream.indirect.gather [hbm4b:s4+s11], $0x10, s22, s11, $0xb8;
	[tilespmem:$0xD600] =	vst v63  }
0x33: {  	s22 =	simm.s32 $0x680;
	s23 =	simm.s32 $0x7400  }
0x34: {  	[tilespmem:s23], [sflag:$0x1] =	stream.indirect.gather [hbm4b:s4+s11], $0x10, s22, s11, $0xb8;
	[tilespmem:$0xD600] =	vst v63  }
0x35: {  	s22 =	simm.s32 $0x700;
	s23 =	simm.s32 $0x7C00  }
0x36: {  	[tilespmem:s23], [sflag:$0x1] =	stream.indirect.gather [hbm4b:s4+s11], $0x10, s22, s11, $0xb8;
	[tilespmem:$0xD600] =	vst v63  }
0x37: {  	s22 =	simm.s32 $0x780;
	s23 =	simm.s32 $0x8400  }
0x38: {  	[tilespmem:s23], [sflag:$0x1] =	stream.indirect.gather [hbm4b:s4+s11], $0x10, s22, s11, $0xb8;
	[tilespmem:$0xD600] =	vst v63  }
0x39: {  	s22 =	simm.s32 $0x800;
	s23 =	simm.s32 $0x8C00  }
0x3a: {  	[tilespmem:s23], [sflag:$0x1] =	stream.indirect.gather [hbm4b:s4+s11], $0x10, s22, s11, $0xb8;
	[tilespmem:$0xD600] =	vst v63  }
0x3b: {  	_ = 	snop  }
0x3c: {  	[tilespmem:s25], [sflag:$0x1] =	stream.indirect.gather [hbm4b:s4+s11], $0x10, s24, s11, $0xb8;
	[tilespmem:$0xD600] =	vst v63  }
0x3d: {  	_ = 	snop  }
0x3e: {  	[tilespmem:s28], [sflag:$0x1] =	stream.indirect.gather [hbm4b:s4+s11], $0x10, s26, s11, $0xb8;
	[tilespmem:$0xD600] =	vst v63  }
0x3f: {  	_ = 	snop  }
0x40: {  	[tilespmem:s30], [sflag:$0x1] =	stream.indirect.gather [hbm4b:s4+s11], $0x10, s29, s11, $0xb8;
	[tilespmem:$0xD600] =	vst v63  }
0x41: {  	_ = 	snop  }
0x42: {  	[tilespmem:s0], [sflag:$0x1] =	stream.indirect.gather [hbm4b:s4+s11], $0x10, s31, s11, $0xb8;
	[tilespmem:$0xD600] =	vst v63  }
0x43: {  	_ = 	snop  }
0x44: {  	[tilespmem:s13], [sflag:$0x1] =	stream.indirect.gather [hbm4b:s4+s11], $0x10, s1, s11, $0xb8;
	[tilespmem:$0xD600] =	vst v63  }
0x45: {  	_ = 	snop  }
0x46: {  	[tilespmem:s15], [sflag:$0x1] =	stream.indirect.gather [hbm4b:s4+s11], $0x10, s14, s11, $0xb8;
	[tilespmem:$0xD600] =	vst v63  }
0x47: {  	_ = 	snop  }
0x48: {  	[tilespmem:s17], [sflag:$0x1] =	stream.indirect.gather [hbm4b:s4+s11], $0x10, s16, s11, $0xb8;
	[tilespmem:$0xD600] =	vst v63  }
0x49: {  	_ =	swait.ge [sflag:s19], $0x800  }
0x4a: {  	[sflag:s19] =	ssyncset.done $0x0  }
0x4b: {  	[sflag:s19] =	ssyncadd.s32 $0xFFFFF800  }
0x4c: {  	_ =	swait.ge [sflag:s19], $0x800  }
0x4d: {  	[sflag:s19] =	ssyncset.done $0x0  }
0x4e: {  	[sflag:s19] =	ssyncadd.s32 $0xFFFFF800  }
0x4f: {  	_ =	swait.ge [sflag:s19], $0x800  }
0x50: {  	[sflag:s19] =	ssyncset.done $0x0  }
0x51: {  	[sflag:s19] =	ssyncadd.s32 $0xFFFFF800  }
0x52: {  	_ =	swait.ge [sflag:s19], $0x800  }
0x53: {  	[sflag:s19] =	ssyncset.done $0x0  }
0x54: {  	[sflag:s19] =	ssyncadd.s32 $0xFFFFF800  }
0x55: {  	_ =	swait.ge [sflag:s19], $0x800  }
0x56: {  	[sflag:s19] =	ssyncset.done $0x0  }
0x57: {  	[sflag:s19] =	ssyncadd.s32 $0xFFFFF800  }
0x58: {  	_ =	swait.ge [sflag:s19], $0x800  }
0x59: {  	[sflag:s19] =	ssyncset.done $0x0  }
0x5a: {  	[sflag:s19] =	ssyncadd.s32 $0xFFFFF800  }
0x5b: {  	_ =	swait.ge [sflag:s19], $0x800  }
0x5c: {  	[sflag:s19] =	ssyncset.done $0x0  }
0x5d: {  	[sflag:s19] =	ssyncadd.s32 $0xFFFFF800  }
0x5e: {  	_ =	swait.ge [sflag:s19], $0x800  }
0x5f: {  	[sflag:s19] =	ssyncset.done $0x0  }
0x60: {  	[sflag:s19] =	ssyncadd.s32 $0xFFFFF800  }
0x61: {  	_ =	swait.ge [sflag:s19], $0x800  }
0x62: {  	[sflag:s19] =	ssyncset.done $0x0  }
0x63: {  	[sflag:s19] =	ssyncadd.s32 $0xFFFFF800  }
0x64: {  	_ =	swait.ge [sflag:s19], $0x800  }
0x65: {  	[sflag:s19] =	ssyncset.done $0x0  }
0x66: {  	[sflag:s19] =	ssyncadd.s32 $0xFFFFF800  }
0x67: {  	_ =	swait.ge [sflag:s19], $0x800  }
0x68: {  	[sflag:s19] =	ssyncset.done $0x0  }
0x69: {  	[sflag:s19] =	ssyncadd.s32 $0xFFFFF800  }
0x6a: {  	_ =	swait.ge [sflag:s19], $0x800  }
0x6b: {  	[sflag:s19] =	ssyncset.done $0x0  }
0x6c: {  	[sflag:s19] =	ssyncadd.s32 $0xFFFFF800  }
0x6d: {  	_ =	swait.ge [sflag:s19], $0x800  }
0x6e: {  	[sflag:s19] =	ssyncset.done $0x0  }
0x6f: {  	[sflag:s19] =	ssyncadd.s32 $0xFFFFF800  }
0x70: {  	_ =	swait.ge [sflag:s19], $0x800  }
0x71: {  	[sflag:s19] =	ssyncset.done $0x0  }
0x72: {  	[sflag:s19] =	ssyncadd.s32 $0xFFFFF800  }
0x73: {  	_ =	swait.ge [sflag:s19], $0x800  }
0x74: {  	[sflag:s19] =	ssyncset.done $0x0  }
0x75: {  	[sflag:s19] =	ssyncadd.s32 $0xFFFFF800  }
0x76: {  	_ =	swait.ge [sflag:s19], $0x800  }
0x77: {  	[sflag:s19] =	ssyncset.done $0x0  }
0x78: {  	[sflag:s19] =	ssyncadd.s32 $0xFFFFF800  }
0x79: {  	_ =	swait.ge [sflag:s19], $0x800  }
0x7a: {  	[sflag:s19] =	ssyncset.done $0x0  }
0x7b: {  	[sflag:s19] =	ssyncadd.s32 $0xFFFFF800  }
0x7c: {  	_ =	swait.ge [sflag:s19], $0x800  }
0x7d: {  	[sflag:s19] =	ssyncset.done $0x0  }
0x7e: {  	[sflag:s19] =	ssyncadd.s32 $0xFFFFF800  }
0x7f: {  	_ =	swait.ge [sflag:s19], $0x800  }
0x80: {  	[sflag:s19] =	ssyncset.done $0x0  }
0x81: {  	[sflag:s19] =	ssyncadd.s32 $0xFFFFF800  }
0x82: {  	_ =	swait.ge [sflag:s19], $0x800  }
0x83: {  	[sflag:s19] =	ssyncset.done $0x0  }
0x84: {  	[sflag:s19] =	ssyncadd.s32 $0xFFFFF800  }
0x85: {  	_ =	swait.ge [sflag:s19], $0x800  }
0x86: {  	[sflag:s19] =	ssyncset.done $0x0  }
0x87: {  	[sflag:s19] =	ssyncadd.s32 $0xFFFFF800  }
0x88: {  	v1 =	vor.u32 s2, v0;
	_ =	swait.ge [sflag:s19], $0x800  }
0x89: {  	v2 =	vmul.u32 $0x3334, v1;
	[sflag:s19] =	ssyncset.done $0x0  }
0x8a: {  	v3 =	vmov s2;
	[sflag:s19] =	ssyncadd.s32 $0xFFFFF800  }
0x8b: {  	v3 =	vshll.u32 v3, $0x4;
	v1 =	vshll.u32 v1, $0x4;
	v2 =	vshrl.u32 v2, $0xC;
	_ =	swait.ge [sflag:s19], $0x800  }
0x8c: {  	v3 =	vand.u32 $0xF800, v3;
	v1 =	vand.u32 $0x7F0, v1;
	v4 =	vand.u32 $0x7FFF0, v2;
	[sflag:s19] =	ssyncset.done $0x0  }
0x8d: {  	v1 =	vor.u32 v3, v1;
	[sflag:s19] =	ssyncadd.s32 $0xFFFFF800  }
0x8e: {  	v3 =	vor.u32 $0x1, v1;
	_ =	swait.ge [sflag:s19], $0x800  }
0x8f: {  	v5 =	vor.u32 $0x1, v4;
	[sflag:s19] =	ssyncset.done $0x0  }
0x90: {  	v6 =	vor.u32 $0x2, v1;
	[sflag:s19] =	ssyncadd.s32 $0xFFFFF800  }
0x91: {  	v8 =	vor.u32 $0x2, v4;
	v7 =	vld.idx.msk [tilespmem:v4+s12+$0x0], $0xffff  }
0x92: {  	v10 =	vor.u32 $0x3, v1;
	v9 =	vld.idx.msk [tilespmem:v1+s18+$0x0], $0xffff  }
0x93: {  	v12 =	vor.u32 $0x4, v1;
	v3 =	vld.idx.msk [tilespmem:v3+s18+$0x0], $0xffff  }
0x94: {  	v11 =	vor.u32 $0x3, v4;
	v5 =	vld.idx.msk [tilespmem:v5+s12+$0x0], $0xffff  }
0x95: {  	v14 =	vor.u32 $0x5, v1;
	v6 =	vld.idx.msk [tilespmem:v6+s18+$0x0], $0xffff  }
0x96: {  	v13 =	vor.u32 $0x4, v4;
	v8 =	vld.idx.msk [tilespmem:v8+s12+$0x0], $0xffff  }
0x97: {  	v2 =	vor.u32 $0xF, v2;
	v10 =	vld.idx.msk [tilespmem:v10+s18+$0x0], $0xffff  }
0x98: {  	v15 =	vor.u32 $0x5, v4;
	v12 =	vld.idx.msk [tilespmem:v12+s18+$0x0], $0xffff;
	v7 =	vmul.f32 v7, v9  }
0x99: {  	v9 =	vld.idx.msk [tilespmem:v11+s12+$0x0], $0xffff;
	v11 =	vor.u32 $0x6, v1  }
0x9a: {  	v16 =	vor.u32 $0x6, v4;
	v14 =	vld.idx.msk [tilespmem:v14+s18+$0x0], $0xffff;
	v3 =	vmul.f32 v5, v3;
	v7 =	vadd.f32 $0.0e+00, v7  }
0x9b: {  	v37 =	vor.u32 $0x7, v1;
	v5 =	vld.idx.msk [tilespmem:v13+s12+$0x0], $0xffff  }
0x9c: {  	v17 =	vor.u32 $0x7, v4;
	v2 =	vld.idx.msk [tilespmem:v2+s12+$0x0], $0xffff;
	v6 =	vmul.f32 v8, v6;
	v3 =	vadd.f32 v3, v7  }
0x9d: {  	v8 =	vor.u32 $0x8, v1;
	v7 =	vld.idx.msk [tilespmem:v15+s12+$0x0], $0xffff  }
0x9e: {  	v38 =	vor.u32 $0x8, v4;
	v11 =	vld.idx.msk [tilespmem:v11+s18+$0x0], $0xffff;
	v3 =	vadd.f32 v6, v3;
	v6 =	vmul.f32 v9, v10  }
0x9f: {  	v9 =	vld.idx.msk [tilespmem:v16+s12+$0x0], $0xffff;
	v10 =	vor.u32 $0x9, v1  }
0xa0: {  	v39 =	vor.u32 $0x9, v4;
	v13 =	vld.idx.msk [tilespmem:v37+s18+$0x0], $0xffff;
	v5 =	vmul.f32 v5, v12;
	v3 =	vadd.f32 v6, v3  }
0xa1: {  	v40 =	vor.u32 $0xA, v1;
	v6 =	vld.idx.msk [tilespmem:v17+s12+$0x0], $0xffff  }
0xa2: {  	v41 =	vor.u32 $0xA, v4;
	v8 =	vld.idx.msk [tilespmem:v8+s18+$0x0], $0xffff;
	v3 =	vadd.f32 v5, v3;
	v5 =	vmul.f32 v7, v14  }
0xa3: {  	v42 =	vor.u32 $0xB, v1;
	v7 =	vld.idx.msk [tilespmem:v38+s12+$0x0], $0xffff  }
0xa4: {  	v43 =	vor.u32 $0xB, v4;
	v10 =	vld.idx.msk [tilespmem:v10+s18+$0x0], $0xffff;
	v3 =	vadd.f32 v5, v3;
	v5 =	vmul.f32 v9, v11  }
0xa5: {  	v9 =	vld.idx.msk [tilespmem:v39+s12+$0x0], $0xffff;
	v11 =	vor.u32 $0xC, v1  }
0xa6: {  	v44 =	vor.u32 $0xC, v4;
	v12 =	vld.idx.msk [tilespmem:v40+s18+$0x0], $0xffff;
	v3 =	vadd.f32 v5, v3;
	v5 =	vmul.f32 v6, v13  }
0xa7: {  	v45 =	vor.u32 $0xD, v1;
	v6 =	vld.idx.msk [tilespmem:v41+s12+$0x0], $0xffff  }
0xa8: {  	v46 =	vor.u32 $0xD, v4;
	v14 =	vld.idx.msk [tilespmem:v42+s18+$0x0], $0xffff;
	v3 =	vadd.f32 v5, v3;
	v5 =	vmul.f32 v7, v8  }
0xa9: {  	v4 =	vor.u32 $0xE, v4;
	v7 =	vld.idx.msk [tilespmem:v43+s12+$0x0], $0xffff  }
0xaa: {  	v8 =	vor.u32 $0xE, v1;
	v11 =	vld.idx.msk [tilespmem:v11+s18+$0x0], $0xffff;
	v3 =	vadd.f32 v5, v3;
	v5 =	vmul.f32 v9, v10  }
0xab: {  	v1 =	vor.u32 $0xF, v1;
	v9 =	vld.idx.msk [tilespmem:v44+s12+$0x0], $0xffff  }
0xac: {  	v10 =	vld.idx.msk [tilespmem:v45+s18+$0x0], $0xffff;
	v3 =	vadd.f32 v5, v3;
	v5 =	vmul.f32 v6, v12  }
0xad: {  	v6 =	vld.idx.msk [tilespmem:v46+s12+$0x0], $0xffff  }
0xae: {  	v4 =	vld.idx.msk [tilespmem:v4+s12+$0x0], $0xffff;
	v3 =	vadd.f32 v5, v3;
	v5 =	vmul.f32 v7, v14  }
0xaf: {  	v8 =	vld.idx.msk [tilespmem:v8+s18+$0x0], $0xffff  }
0xb0: {  	s23 =	simm.s32 $0x10;
	v1 =	vld.idx.msk [tilespmem:v1+s18+$0x0], $0xffff;
	v3 =	vadd.f32 v5, v3;
	v5 =	vmul.f32 v9, v11  }
0xb1: {  	v7 =	vmov s23  }
0xb2: {  	v9 =	vor.u32 s23, v0;
	v3 =	vadd.f32 v5, v3;
	v5 =	vmul.f32 v6, v10  }
0xb3: {  	v7 =	vshll.u32 v7, $0x4;
	v6 =	vmul.u32 $0x3334, v9  }
0xb4: {  	v9 =	vshll.u32 v9, $0x4;
	v4 =	vmul.f32 v4, v8;
	v3 =	vadd.f32 v5, v3  }
0xb5: {  	v1 =	vmul.f32 v2, v1;
	v5 =	vand.u32 $0xF800, v7;
	v6 =	vshrl.u32 v6, $0xC  }
0xb6: {  	v7 =	vand.u32 $0x7F0, v9;
	v8 =	vand.u32 $0x7FFF0, v6;
	v3 =	vadd.f32 v4, v3  }
0xb7: {  	v2 =	vor.u32 v5, v7  }
0xb8: {  	v4 =	vor.u32 $0x1, v2;
	v1 =	vadd.f32 v1, v3  }
0xb9: {  	v3 =	vor.u32 $0x1, v8  }
0xba: {  	v5 =	vor.u32 $0x2, v2;
	[tilespmem:s20+$0x0] =	vst v1  }
0xbb: {  	v7 =	vor.u32 $0x2, v8;
	v1 =	vld.idx.msk [tilespmem:v8+s12+$0x0], $0xffff  }
0xbc: {  	v10 =	vor.u32 $0x3, v2;
	v9 =	vld.idx.msk [tilespmem:v2+s18+$0x0], $0xffff  }
0xbd: {  	v11 =	vor.u32 $0x3, v8;
	v4 =	vld.idx.msk [tilespmem:v4+s18+$0x0], $0xffff  }
0xbe: {  	v47 =	vor.u32 $0x4, v2;
	v3 =	vld.idx.msk [tilespmem:v3+s12+$0x0], $0xffff  }
0xbf: {  	v48 =	vor.u32 $0x4, v8;
	v5 =	vld.idx.msk [tilespmem:v5+s18+$0x0], $0xffff  }
0xc0: {  	v49 =	vor.u32 $0x5, v2;
	v7 =	vld.idx.msk [tilespmem:v7+s12+$0x0], $0xffff  }
0xc1: {  	v50 =	vor.u32 $0x5, v8;
	v10 =	vld.idx.msk [tilespmem:v10+s18+$0x0], $0xffff;
	v1 =	vmul.f32 v1, v9  }
0xc2: {  	v9 =	vld.idx.msk [tilespmem:v11+s12+$0x0], $0xffff;
	v11 =	vor.u32 $0x6, v2  }
0xc3: {  	v51 =	vor.u32 $0x6, v8;
	v12 =	vld.idx.msk [tilespmem:v47+s18+$0x0], $0xffff;
	v1 =	vadd.f32 $0.0e+00, v1;
	v3 =	vmul.f32 v3, v4  }
0xc4: {  	v52 =	vor.u32 $0x7, v2;
	v4 =	vld.idx.msk [tilespmem:v48+s12+$0x0], $0xffff  }
0xc5: {  	v53 =	vor.u32 $0x7, v8;
	v14 =	vld.idx.msk [tilespmem:v49+s18+$0x0], $0xffff;
	v1 =	vadd.f32 v3, v1;
	v3 =	vmul.f32 v7, v5  }
0xc6: {  	v5 =	vld.idx.msk [tilespmem:v50+s12+$0x0], $0xffff;
	v7 =	vor.u32 $0x8, v2  }
0xc7: {  	v54 =	vor.u32 $0x8, v8;
	v11 =	vld.idx.msk [tilespmem:v11+s18+$0x0], $0xffff;
	v1 =	vadd.f32 v3, v1;
	v3 =	vmul.f32 v9, v10  }
0xc8: {  	v9 =	vld.idx.msk [tilespmem:v51+s12+$0x0], $0xffff;
	v10 =	vor.u32 $0x9, v2  }
0xc9: {  	v55 =	vor.u32 $0x9, v8;
	v13 =	vld.idx.msk [tilespmem:v52+s18+$0x0], $0xffff;
	v1 =	vadd.f32 v3, v1;
	v3 =	vmul.f32 v4, v12  }
0xca: {  	v56 =	vor.u32 $0xA, v2;
	v4 =	vld.idx.msk [tilespmem:v53+s12+$0x0], $0xffff  }
0xcb: {  	v57 =	vor.u32 $0xA, v8;
	v7 =	vld.idx.msk [tilespmem:v7+s18+$0x0], $0xffff;
	v1 =	vadd.f32 v3, v1;
	v3 =	vmul.f32 v5, v14  }
0xcc: {  	v58 =	vor.u32 $0xB, v2;
	v5 =	vld.idx.msk [tilespmem:v54+s12+$0x0], $0xffff  }
0xcd: {  	v59 =	vor.u32 $0xB, v8;
	v10 =	vld.idx.msk [tilespmem:v10+s18+$0x0], $0xffff;
	v1 =	vadd.f32 v3, v1;
	v3 =	vmul.f32 v9, v11  }
0xce: {  	v9 =	vld.idx.msk [tilespmem:v55+s12+$0x0], $0xffff;
	v11 =	vor.u32 $0xC, v2  }
0xcf: {  	v60 =	vor.u32 $0xC, v8;
	v12 =	vld.idx.msk [tilespmem:v56+s18+$0x0], $0xffff;
	v1 =	vadd.f32 v3, v1;
	v3 =	vmul.f32 v4, v13  }
0xd0: {  	v4 =	vld.idx.msk [tilespmem:v57+s12+$0x0], $0xffff  }
0xd1: {  	v61 =	vor.u32 $0xD, v2;
	v14 =	vld.idx.msk [tilespmem:v58+s18+$0x0], $0xffff;
	v1 =	vadd.f32 v3, v1;
	v3 =	vmul.f32 v5, v7  }
0xd2: {  	v5 =	vor.u32 $0xD, v8;
	v7 =	vld.idx.msk [tilespmem:v59+s12+$0x0], $0xffff  }
0xd3: {  	v8 =	vor.u32 $0xE, v8;
	v11 =	vld.idx.msk [tilespmem:v11+s18+$0x0], $0xffff;
	v1 =	vadd.f32 v3, v1;
	v3 =	vmul.f32 v9, v10  }
0xd4: {  	v9 =	vor.u32 $0xE, v2;
	v10 =	vld.idx.msk [tilespmem:v60+s12+$0x0], $0xffff  }
0xd5: {  	v62 =	vor.u32 $0xF, v2;
	v1 =	vadd.f32 v3, v1;
	v3 =	vmul.f32 v4, v12  }
0xd6: {  	v63 =	vor.u32 $0xF, v6;
	v13 =	vld.idx.msk [tilespmem:v61+s18+$0x0], $0xffff  }
0xd7: {  	v5 =	vld.idx.msk [tilespmem:v5+s12+$0x0], $0xffff;
	v1 =	vadd.f32 v3, v1;
	v3 =	vmul.f32 v7, v14  }
0xd8: {  	v4 =	vld.idx.msk [tilespmem:v8+s12+$0x0], $0xffff  }
0xd9: {  	v2 =	vld.idx.msk [tilespmem:v9+s18+$0x0], $0xffff;
	v7 =	vmul.f32 v10, v11;
	v3 =	vadd.f32 v3, v1  }
0xda: {  	v1 =	vld.idx.msk [tilespmem:v62+s18+$0x0], $0xffff  }
0xdb: {  	s23 =	simm.s32 $0x20;
	v7 =	vadd.f32 v7, v3;
	v3 =	vld.idx.msk [tilespmem:v63+s12+$0x0], $0xffff  }
0xdc: {  	v6 =	vor.u32 s23, v0;
	v9 =	vmov s23;
	v8 =	vmul.f32 v5, v13  }
0xdd: {  	s22 =	simm.s32 $0xCC00;
	s23 =	simm.s32 $0x30;
	v9 =	vshll.u32 v9, $0x4;
	v5 =	vmul.u32 $0x3334, v6  }
.LBB2_2:
0xde: {  	p0 =	sne.s32 s23, $0x9F0;
	v6 =	vshll.u32 v6, $0x4;
	v7 =	vadd.f32 v8, v7;
	v2 =	vmul.f32 v4, v2  }
0xdf: {  	v4 =	vand.u32 $0xF800, v9;
	v6 =	vand.u32 $0x7F0, v6;
	v5 =	vshrl.u32 v5, $0xC  }
0xe0: {  	v1 =	vmul.f32 v3, v1;
	v8 =	vand.u32 $0x7FFF0, v5;
	v2 =	vadd.f32 v2, v7  }
0xe1: {  	v3 =	vor.u32 v4, v6  }
0xe2: {  	v4 =	vor.u32 $0x1, v3;
	v1 =	vadd.f32 v1, v2  }
0xe3: {  	s22 =	sadd.s32 $0x10, s22;
	v2 =	vor.u32 $0x1, v8  }
0xe4: {  	v6 =	vor.u32 $0x2, v3;
	[tilespmem:s22+$0x0] =	vst v1  }
0xe5: {  	v7 =	vor.u32 $0x2, v8;
	v1 =	vld.idx.msk [tilespmem:v8+s12+$0x0], $0xffff  }
0xe6: {  	v10 =	vor.u32 $0x3, v3;
	v9 =	vld.idx.msk [tilespmem:v3+s18+$0x0], $0xffff  }
0xe7: {  	v11 =	vor.u32 $0x3, v8;
	v4 =	vld.idx.msk [tilespmem:v4+s18+$0x0], $0xffff  }
0xe8: {  	v12 =	vor.u32 $0x4, v3;
	v2 =	vld.idx.msk [tilespmem:v2+s12+$0x0], $0xffff  }
0xe9: {  	v13 =	vor.u32 $0x4, v8;
	v6 =	vld.idx.msk [tilespmem:v6+s18+$0x0], $0xffff  }
0xea: {  	v14 =	vor.u32 $0x5, v3;
	v7 =	vld.idx.msk [tilespmem:v7+s12+$0x0], $0xffff  }
0xeb: {  	v15 =	vor.u32 $0x5, v8;
	v10 =	vld.idx.msk [tilespmem:v10+s18+$0x0], $0xffff  }
0xec: {  	v1 =	vmul.f32 v1, v9;
	v9 =	vld.idx.msk [tilespmem:v11+s12+$0x0], $0xffff;
	v11 =	vor.u32 $0x6, v3  }
0xed: {  	v16 =	vor.u32 $0x6, v8;
	v12 =	vld.idx.msk [tilespmem:v12+s18+$0x0], $0xffff  }
0xee: {  	v1 =	vadd.f32 $0.0e+00, v1;
	v2 =	vmul.f32 v2, v4;
	v4 =	vld.idx.msk [tilespmem:v13+s12+$0x0], $0xffff;
	v13 =	vor.u32 $0x7, v3  }
0xef: {  	v17 =	vor.u32 $0x7, v8;
	v14 =	vld.idx.msk [tilespmem:v14+s18+$0x0], $0xffff  }
0xf0: {  	v1 =	vadd.f32 v2, v1;
	v2 =	vmul.f32 v7, v6;
	v7 =	vor.u32 $0x8, v3;
	v6 =	vld.idx.msk [tilespmem:v15+s12+$0x0], $0xffff  }
0xf1: {  	v15 =	vor.u32 $0x8, v8;
	v11 =	vld.idx.msk [tilespmem:v11+s18+$0x0], $0xffff  }
0xf2: {  	v1 =	vadd.f32 v2, v1;
	v2 =	vmul.f32 v9, v10;
	v10 =	vor.u32 $0x9, v3;
	v9 =	vld.idx.msk [tilespmem:v16+s12+$0x0], $0xffff  }
0xf3: {  	v16 =	vor.u32 $0x9, v8;
	v13 =	vld.idx.msk [tilespmem:v13+s18+$0x0], $0xffff  }
0xf4: {  	v1 =	vadd.f32 v2, v1;
	v2 =	vmul.f32 v4, v12;
	v12 =	vor.u32 $0xA, v3;
	v4 =	vld.idx.msk [tilespmem:v17+s12+$0x0], $0xffff  }
0xf5: {  	v17 =	vor.u32 $0xA, v8;
	v7 =	vld.idx.msk [tilespmem:v7+s18+$0x0], $0xffff  }
0xf6: {  	v1 =	vadd.f32 v2, v1;
	v2 =	vmul.f32 v6, v14;
	v14 =	vor.u32 $0xB, v3;
	v6 =	vld.idx.msk [tilespmem:v15+s12+$0x0], $0xffff  }
0xf7: {  	v15 =	vor.u32 $0xB, v8;
	v10 =	vld.idx.msk [tilespmem:v10+s18+$0x0], $0xffff  }
0xf8: {  	v1 =	vadd.f32 v2, v1;
	v2 =	vmul.f32 v9, v11;
	v11 =	vor.u32 $0xC, v3;
	v9 =	vld.idx.msk [tilespmem:v16+s12+$0x0], $0xffff  }
0xf9: {  	v16 =	vor.u32 $0xC, v8;
	v12 =	vld.idx.msk [tilespmem:v12+s18+$0x0], $0xffff  }
0xfa: {  	v1 =	vadd.f32 v2, v1;
	v2 =	vmul.f32 v4, v13;
	v13 =	vor.u32 $0xD, v3;
	v4 =	vld.idx.msk [tilespmem:v17+s12+$0x0], $0xffff  }
0xfb: {  	v17 =	vor.u32 $0xD, v8;
	v14 =	vld.idx.msk [tilespmem:v14+s18+$0x0], $0xffff  }
0xfc: {  	v1 =	vadd.f32 v2, v1;
	v2 =	vmul.f32 v6, v7;
	v7 =	vor.u32 $0xE, v3;
	v6 =	vld.idx.msk [tilespmem:v15+s12+$0x0], $0xffff  }
0xfd: {  	v8 =	vor.u32 $0xE, v8;
	v11 =	vld.idx.msk [tilespmem:v11+s18+$0x0], $0xffff  }
0xfe: {  	v3 =	vor.u32 $0xF, v3;
	v1 =	vadd.f32 v2, v1;
	v2 =	vmul.f32 v9, v10;
	v9 =	vld.idx.msk [tilespmem:v16+s12+$0x0], $0xffff  }
0xff: {  	v5 =	vor.u32 $0xF, v5;
	v10 =	vld.idx.msk [tilespmem:v13+s18+$0x0], $0xffff  }
0x100: {  	v1 =	vadd.f32 v2, v1;
	v4 =	vmul.f32 v4, v12;
	v12 =	vld.idx.msk [tilespmem:v17+s12+$0x0], $0xffff  }
0x101: {  	v2 =	vld.idx.msk [tilespmem:v7+s18+$0x0], $0xffff  }
0x102: {  	v7 =	vadd.f32 v4, v1;
	v6 =	vmul.f32 v6, v14;
	v4 =	vld.idx.msk [tilespmem:v8+s12+$0x0], $0xffff  }
.Ltmp0:
0x103: {  	v1 =	vld.idx.msk [tilespmem:v3+s18+$0x0], $0xffff;
	(pc) =	sbr.rel @p0 .LBB2_2-.Ltmp0, $4  }
0x104: {  	v7 =	vadd.f32 v6, v7;
	v8 =	vmul.f32 v9, v11;
	v3 =	vld.idx.msk [tilespmem:v5+s12+$0x0], $0xffff  }
0x105: {  	v9 =	vmov s23  }
0x106: {  	v6 =	vor.u32 s23, v0;
	v7 =	vadd.f32 v8, v7;
	v8 =	vmul.f32 v12, v10  }
0x107: {  	s23 =	sadd.s32 $0x10, s23;
	v5 =	vmul.u32 $0x3334, v6;
	v9 =	vshll.u32 v9, $0x4  }
0x108: {  	v6 =	vshll.u32 v6, $0x4;
	v7 =	vadd.f32 v8, v7;
	v2 =	vmul.f32 v4, v2  }
0x109: {  	v32 =	vand.u32 $0xF800, v9;
	v6 =	vand.u32 $0x7F0, v6;
	v5 =	vshrl.u32 v5, $0xC  }
0x10a: {  	v1 =	vmul.f32 v3, v1;
	v33 =	vand.u32 $0x7FFF0, v5;
	v2 =	vadd.f32 v2, v7  }
0x10b: {  	v3 =	vor.u32 v32, v6  }
0x10c: {  	v4 =	vor.u32 $0x1, v3;
	v1 =	vadd.f32 v1, v2  }
0x10d: {  	s22 =	sadd.s32 $0x10, s22;
	v2 =	vor.u32 $0x1, v33  }
0x10e: {  	v6 =	vor.u32 $0x2, v3;
	[tilespmem:s22+$0x0] =	vst v1  }
0x10f: {  	v34 =	vor.u32 $0x2, v33;
	v1 =	vld.idx.msk [tilespmem:v33+s12+$0x0], $0xffff  }
0x110: {  	v10 =	vor.u32 $0x3, v3;
	v35 =	vld.idx.msk [tilespmem:v3+s18+$0x0], $0xffff  }
0x111: {  	v11 =	vor.u32 $0x3, v33;
	v4 =	vld.idx.msk [tilespmem:v4+s18+$0x0], $0xffff  }
0x112: {  	v12 =	vor.u32 $0x4, v3;
	v2 =	vld.idx.msk [tilespmem:v2+s12+$0x0], $0xffff  }
0x113: {  	v13 =	vor.u32 $0x4, v33;
	v6 =	vld.idx.msk [tilespmem:v6+s18+$0x0], $0xffff  }
0x114: {  	v14 =	vor.u32 $0x5, v3;
	v7 =	vld.idx.msk [tilespmem:v34+s12+$0x0], $0xffff  }
0x115: {  	v15 =	vor.u32 $0x5, v33;
	v10 =	vld.idx.msk [tilespmem:v10+s18+$0x0], $0xffff;
	v1 =	vmul.f32 v1, v35  }
0x116: {  	v37 =	vor.u32 $0x6, v3;
	v36 =	vld.idx.msk [tilespmem:v11+s12+$0x0], $0xffff  }
0x117: {  	v16 =	vor.u32 $0x6, v33;
	v12 =	vld.idx.msk [tilespmem:v12+s18+$0x0], $0xffff;
	v1 =	vadd.f32 $0.0e+00, v1;
	v2 =	vmul.f32 v2, v4  }
0x118: {  	v39 =	vor.u32 $0x7, v3;
	v38 =	vld.idx.msk [tilespmem:v13+s12+$0x0], $0xffff  }
0x119: {  	v17 =	vor.u32 $0x7, v33;
	v14 =	vld.idx.msk [tilespmem:v14+s18+$0x0], $0xffff;
	v1 =	vadd.f32 v2, v1;
	v2 =	vmul.f32 v7, v6  }
0x11a: {  	v42 =	vor.u32 $0x8, v33;
	v40 =	vld.idx.msk [tilespmem:v15+s12+$0x0], $0xffff  }
0x11b: {  	v41 =	vor.u32 $0x8, v3;
	v11 =	vld.idx.msk [tilespmem:v37+s18+$0x0], $0xffff;
	v1 =	vadd.f32 v2, v1;
	v2 =	vmul.f32 v36, v10  }
0x11c: {  	v45 =	vor.u32 $0x9, v33;
	v43 =	vld.idx.msk [tilespmem:v16+s12+$0x0], $0xffff  }
0x11d: {  	v44 =	vor.u32 $0x9, v3;
	v13 =	vld.idx.msk [tilespmem:v39+s18+$0x0], $0xffff;
	v1 =	vadd.f32 v2, v1;
	v2 =	vmul.f32 v38, v12  }
0x11e: {  	v48 =	vor.u32 $0xA, v33;
	v46 =	vld.idx.msk [tilespmem:v17+s12+$0x0], $0xffff  }
0x11f: {  	v47 =	vor.u32 $0xA, v3;
	v49 =	vld.idx.msk [tilespmem:v42+s12+$0x0], $0xffff;
	v1 =	vadd.f32 v2, v1;
	v2 =	vmul.f32 v40, v14  }
0x120: {  	v51 =	vor.u32 $0xB, v33;
	v7 =	vld.idx.msk [tilespmem:v41+s18+$0x0], $0xffff  }
0x121: {  	v50 =	vor.u32 $0xB, v3;
	v52 =	vld.idx.msk [tilespmem:v45+s12+$0x0], $0xffff;
	v1 =	vadd.f32 v2, v1;
	v2 =	vmul.f32 v43, v11  }
0x122: {  	v54 =	vor.u32 $0xC, v33;
	v10 =	vld.idx.msk [tilespmem:v44+s18+$0x0], $0xffff  }
0x123: {  	v53 =	vor.u32 $0xC, v3;
	v55 =	vld.idx.msk [tilespmem:v48+s12+$0x0], $0xffff;
	v1 =	vadd.f32 v2, v1;
	v2 =	vmul.f32 v46, v13  }
0x124: {  	v56 =	vor.u32 $0xD, v3;
	v12 =	vld.idx.msk [tilespmem:v47+s18+$0x0], $0xffff  }
0x125: {  	v57 =	vor.u32 $0xD, v33;
	v58 =	vld.idx.msk [tilespmem:v51+s12+$0x0], $0xffff;
	v1 =	vadd.f32 v2, v1;
	v2 =	vmul.f32 v49, v7  }
0x126: {  	v8 =	vor.u32 $0xE, v33;
	v14 =	vld.idx.msk [tilespmem:v50+s18+$0x0], $0xffff  }
0x127: {  	v59 =	vor.u32 $0xE, v3;
	v60 =	vld.idx.msk [tilespmem:v54+s12+$0x0], $0xffff;
	v1 =	vadd.f32 v2, v1;
	v2 =	vmul.f32 v52, v10  }
0x128: {  	v5 =	vor.u32 $0xF, v5;
	v11 =	vld.idx.msk [tilespmem:v53+s18+$0x0], $0xffff  }
0x129: {  	v3 =	vor.u32 $0xF, v3;
	v61 =	vld.idx.msk [tilespmem:v56+s18+$0x0], $0xffff;
	v1 =	vadd.f32 v2, v1;
	v2 =	vmul.f32 v55, v12  }
0x12a: {  	v62 =	vld.idx.msk [tilespmem:v57+s12+$0x0], $0xffff  }
0x12b: {  	v63 =	vld.idx.msk [tilespmem:v8+s12+$0x0], $0xffff;
	v1 =	vadd.f32 v2, v1;
	v2 =	vmul.f32 v58, v14  }
0x12c: {  	v7 =	vld.idx.msk [tilespmem:v59+s18+$0x0], $0xffff  }
0x12d: {  	v5 =	vld.idx.msk [tilespmem:v5+s12+$0x0], $0xffff;
	v1 =	vadd.f32 v2, v1;
	v2 =	vmul.f32 v60, v11  }
0x12e: {  	v3 =	vld.idx.msk [tilespmem:v3+s18+$0x0], $0xffff  }
0x12f: {  	v1 =	vadd.f32 v2, v1;
	v2 =	vmul.f32 v62, v61;
	_ =	sdelay $0x1  }
0x130: {  	v1 =	vadd.f32 v2, v1;
	v2 =	vmul.f32 v63, v7;
	_ =	sdelay $0x1  }
0x131: {  	v1 =	vadd.f32 v2, v1;
	v2 =	vmul.f32 v5, v3;
	_ =	sdelay $0x1  }
0x132: {  	s21 =	sadd.s32 $0x1, s21;
	v1 =	vadd.f32 v2, v1  }
0x133: {  	p0 =	sne.s32 s21, s8;
	s22 =	sadd.s32 $0x10, s22  }
.Ltmp1:
0x134: {  	[tilespmem:s22+$0x0] =	vst v1;
	(pc) =	sbr.rel @p0 .LBB2_1-.Ltmp1, $4  }
0x135: {  	[hbm4b:s7+s2] =	stream.linear.scatter [tilespmem:s20], [sflag:$0x2], $0xA00, $0x38;
	[tilespmem:$0xD600] =	vst v63  }
0x136: {  	_ =	swait.ge [sflag:s9], $0xA00  }
0x137: {  	[sflag:s9] =	ssyncset.done $0x0  }
0x138: {  	[sflag:s9] =	ssyncadd.s32 $0xFFFFF600  }
0x139: {  	_ =	sfence.sel $0x180000  }
0x13a: {  	[bflag:$0x0] =	sbarrier.arrive $0xFFFF  }
0x13b: {  	_ =	strace $0x90000047  }
0x13c: {  	s0 =	stileid.u32;
	[bflag:$0x2] =	sbarrier.arrive $0xFFFF  }
0x13d: {  	p0 =	sne.s32 s0, $0x0;
	s0 =	rddreg [dreg:$0x3]  }
0x13e: {  	s0 =	sadd.s32 @!p0 $0x100000, s0  }
0x13f: {  	[sflag:s0] =	ssyncadd.tile.s32 @!p0 $0x1;
	_ =	shalt  }
.Lfunc_end2:
_tile_overlayer_lowered:
.L_overlay_start_2:
0x140: {  	(tag) =	ssettag $0x2  }
0x141: {  	s0 =	rddreg [dreg:$0x0];
	s2 =	stileid.u32  }
0x142: {  	s1 =	rddreg [dreg:$0x1];
	p0 =	sne.s32 s2, $0x0  }
0x143: {  	s3 =	rddreg [dreg:$0x2];
	[bflag:$0x3] =	sbarrier.arrive $0xFFFF;
	s2 =	simm.s32 @!p0 $0x1C02  }
0x144: {  	[timem:s3], [sflag:s2] =	dma.local @!p0 [hbm:s0], s1  }
0x145: {  	s0 =	simm.s32 @!p0 $0x2  }
0x146: {  	_ =	swait.ge @!p0 [sflag:s0], s1  }
0x147: {  	s1 =	ssub.s32 @!p0 $0x0, s1;
	[sflag:s0] =	ssyncset.done @!p0 $0x0  }
0x148: {  	[sflag:s0] =	ssyncadd.s32 @!p0 s1  }
0x149: {  	[bflag:$0x3] =	sbarrier.arrive $0xFFFF  }
0x14a: {  	_ =	shalt  }

</sc_bundles>
